<compile_context>
chip_gen: v7x
topology: tpu7x:2x2x1
jax: 0.10.2.dev20260603
libtpu: 0.0.44.dev20260713+nightly
codegen_flags: <defaults>
</compile_context>

<pallas_src>
import jax
import jax.numpy as jnp
from jax import lax
from jax.experimental import pallas as pl
from jax.experimental.pallas import tpu as pltpu
from jax.experimental.pallas import tpu_sc as plsc

B, L, D = 4096, 200, 64
NV = 1_000_000
NC, NS = 2, 16
NW = NC * NS
LT = L // 8
CH = 256
NCHUNK = LT * 4
HALF = NCHUNK // 2
TIDX = D * CH // 16

VCH = 8192
_NSTEP = -(-NV // VCH)


def _fmt_body(wt_ref, out_ref):
    y = wt_ref[...].T.reshape(VCH // 2, 2, D)
    out_ref[...] = jnp.concatenate([y[:, 0, :], y[:, 1, :]], axis=1)


_format = pl.pallas_call(
    _fmt_body,
    out_shape=jax.ShapeDtypeStruct((NV // 2, 128), jnp.float32),
    grid=(_NSTEP,),
    in_specs=[pl.BlockSpec((D, VCH), lambda i: (0, i))],
    out_specs=pl.BlockSpec((VCH // 2, 128), lambda i: (i, 0)),
)

_mesh = plsc.VectorSubcoreMesh(
    core_axis_name="c", subcore_axis_name="s", num_cores=NC, num_subcores=NS
)


def _body(xt_hbm, w_hbm, out_hbm, xb0, xb1, rows0, rows1, t0, t1, tidx,
          sem_g0, sem_g1, sem_o0, sem_o1):
    wid = lax.axis_index("s") * NC + lax.axis_index("c")
    bcol = wid * 128

    iota = lax.iota(jnp.int32, 16)

    @plsc.parallel_loop(0, TIDX, unroll=4)
    def _init_table(kk):
        tidx[pl.ds(16 * kk, 16)] = ((kk % 4) * 16 + iota) * (CH + 1) + kk // 4

    def load_idx(c, xbuf):
        lrow = (c // 4) * 8 + (c % 4) * 2
        pltpu.sync_copy(xt_hbm.at[pl.ds(lrow, 2), pl.ds(bcol, 128)], xbuf)

    def start_gather(xbuf, rows, sem):
        pltpu.async_copy(w_hbm.at[xbuf.at[0]], rows.at[pl.ds(0, 128)], sem)
        pltpu.async_copy(w_hbm.at[xbuf.at[1]], rows.at[pl.ds(128, 128)], sem)

    def wait_gather(rows, sem):
        pltpu.make_async_copy(w_hbm.at[pl.ds(0, 128)],
                              rows.at[pl.ds(0, 128)], sem).wait()
        pltpu.make_async_copy(w_hbm.at[pl.ds(0, 128)],
                              rows.at[pl.ds(128, 128)], sem).wait()

    def start_out(tbuf, c, sem):
        lt = c // 4
        h = c % 4
        pltpu.async_copy(
            tbuf.at[:, pl.ds(0, CH)], out_hbm.at[:, lt, wid, pl.ds(h * CH, CH)], sem)

    def wait_out(tbuf, sem):
        pltpu.make_async_copy(out_hbm.at[:, 0, 0, pl.ds(0, CH)],
                              tbuf.at[:, pl.ds(0, CH)], sem).wait()

    zero16 = iota * 0

    def transpose_chunk(rows, tbuf):
        def kbody(k, _):
            for u in range(8):
                kk = 8 * k + u
                v = rows[2 * k + u // 4, pl.ds((u % 4) * 16, 16)]
                ix = tidx[pl.ds(16 * kk, 16)]
                plsc.store_scatter(tbuf, [zero16, ix], v)
            return 0
        lax.fori_loop(0, TIDX // 8, kbody, 0)

    load_idx(0, xb0)
    start_gather(xb0, rows0, sem_g0)

    def body(i, _):
        cA = 2 * i
        cB = cA + 1
        load_idx(cB, xb1)
        start_gather(xb1, rows1, sem_g1)

        wait_gather(rows0, sem_g0)

        @pl.when(i > 0)
        def _():
            wait_out(t0, sem_o0)

        transpose_chunk(rows0, t0)
        start_out(t0, cA, sem_o0)

        @pl.when(i < HALF - 1)
        def _():
            load_idx(cA + 2, xb0)
            start_gather(xb0, rows0, sem_g0)

        wait_gather(rows1, sem_g1)

        @pl.when(i > 0)
        def _():
            wait_out(t1, sem_o1)

        transpose_chunk(rows1, t1)
        start_out(t1, cB, sem_o1)
        return 0

    lax.fori_loop(0, HALF, body, 0)
    wait_out(t0, sem_o0)
    wait_out(t1, sem_o1)


_fused = pl.kernel(
    _body,
    out_type=jax.ShapeDtypeStruct((D, LT, NW, 1024), jnp.float32),
    mesh=_mesh,
    scratch_types=[
        pltpu.VMEM((2, 128), jnp.int32),
        pltpu.VMEM((2, 128), jnp.int32),
        pltpu.VMEM((CH, D), jnp.float32),
        pltpu.VMEM((CH, D), jnp.float32),
        pltpu.VMEM((D, CH + 1), jnp.float32),
        pltpu.VMEM((D, CH + 1), jnp.float32),
        pltpu.VMEM((16 * TIDX,), jnp.int32),
        pltpu.SemaphoreType.DMA,
        pltpu.SemaphoreType.DMA,
        pltpu.SemaphoreType.DMA,
        pltpu.SemaphoreType.DMA,
    ],
    compiler_params=pltpu.CompilerParams(
        use_tc_tiling_on_sc=False, needs_layout_passes=False
    ),
)


def kernel(x, weight):
    xt = jnp.transpose(x, (1, 0)).astype(jnp.int32)
    wlin = _format(jnp.transpose(weight, (1, 0)))
    out = _fused(xt, wlin.reshape(NV, D))
    out = out.reshape(D, LT, NW, 8, 128)
    out = out.transpose(2, 4, 0, 1, 3)
    return out.reshape(B, D, L)

# --- scband reference (transcript-rebuilt; emitter-appended) ---
"""Pipeline reference for scband-token-embedding-80238579024208 (READ-ONLY COPY).

The authoritative reference and input builder live on the scoring server;
editing this copy changes nothing except your own understanding.
"""

import jax, jax.numpy as jnp
import numpy as np
import math

N_VOCABS = 1000000
D_MODEL = 64

def setup_inputs(seed: int = 0) -> dict:
    key = jax.random.key(seed)
    k_idx, k_w = jax.random.split(key)
    x = jax.random.randint(k_idx, (4096, 200), 0, N_VOCABS, dtype=jnp.int64 if jax.config.jax_enable_x64 else jnp.int32)
    std = math.sqrt(2.0 / (N_VOCABS + D_MODEL))
    val = math.sqrt(3.0) * std
    weight = jax.random.uniform(k_w, (N_VOCABS, D_MODEL), minval=-val, maxval=val, dtype=jnp.float32)
    return {"x": x, "weight": weight}

def reference(x, weight):
    # embedding lookup: [B, L] -> [B, L, d]
    emb = jnp.take(weight, x, axis=0)
    # transpose(1, 2): [B, L, d] -> [B, d, L]
    out = jnp.transpose(emb, (0, 2, 1))
    return out

if __name__ == "__main__":
    import jax
    _d = setup_inputs()
    print(jax.jit(kernel)(*tuple(_d.values())))

</pallas_src>

<mosaic_0001>
#map = affine_map<(d0, d1) -> (0, 0)>
#map1 = affine_map<(d0, d1) -> (0, 0, 0, 0)>
module attributes {stable_mosaic.version = 14 : i64} {
  func.func @_body(%arg0: i32, %arg1: i32, %arg2: memref<200x4096xi32, #tpu.memory_space<hbm>>, %arg3: memref<1000000x64xf32, #tpu.memory_space<hbm>>, %arg4: memref<64x25x32x1024xf32, #tpu.memory_space<hbm>>, %arg5: memref<2x128xi32, #tpu.memory_space<vmem>>, %arg6: memref<2x128xi32, #tpu.memory_space<vmem>>, %arg7: memref<256x64xf32, #tpu.memory_space<vmem>>, %arg8: memref<256x64xf32, #tpu.memory_space<vmem>>, %arg9: memref<64x257xf32, #tpu.memory_space<vmem>>, %arg10: memref<64x257xf32, #tpu.memory_space<vmem>>, %arg11: memref<16384xi32, #tpu.memory_space<vmem>>, %arg12: memref<!tpu.dma_semaphore, #tpu.memory_space<semaphore_mem>>, %arg13: memref<!tpu.dma_semaphore, #tpu.memory_space<semaphore_mem>>, %arg14: memref<!tpu.dma_semaphore, #tpu.memory_space<semaphore_mem>>, %arg15: memref<!tpu.dma_semaphore, #tpu.memory_space<semaphore_mem>>) attributes {dimension_semantics = [#tpu.dimension_semantics<core_parallel>, #tpu.dimension_semantics<subcore_parallel>], iteration_bounds = array<i64: 2, 16>, scalar_prefetch = 0 : i64, scratch_operands = 11 : i64, tpu.core_type = #tpu.core_type<sc_vector_subcore>, window_params = [{transform_indices = #map}, {transform_indices = #map}, {transform_indices = #map1}]} {
    %mul3A = arith.constant 2 : i32
    %mul3A_0 = arith.muli %arg1, %mul3A : i32
    %add3A = arith.addi %mul3A_0, %arg0 : i32
    %mul3A_1 = arith.constant 128 : i32
    %mul3A_2 = arith.muli %add3A, %mul3A_1 : i32
    %iota3A = tpu.iota {dimensions = array<i32: 0>} : vector<16xi32>
    %parallel_loop3A = arith.constant 0 : i32
    %parallel_loop3A_3 = arith.constant 1024 : i32
    %parallel_loop3A_4 = arith.constant 1 : i32
    scf.for %parallel_loop3A_64 = %parallel_loop3A to %parallel_loop3A_3 step %parallel_loop3A_4  : i32 {
      %parallel_loop3A_65 = arith.constant 4 : i32
      %parallel_loop3A_66 = arith.constant 0 : i32
      %parallel_loop3A_67 = arith.cmpi eq, %parallel_loop3A_65, %parallel_loop3A_66 : i32
      %parallel_loop3A_68 = arith.constant 1 : i32
      %parallel_loop3A_69 = arith.select %parallel_loop3A_67, %parallel_loop3A_68, %parallel_loop3A_65 : i32
      %parallel_loop3A_70 = arith.remsi %parallel_loop3A_64, %parallel_loop3A_69 : i32
      %parallel_loop3A_71 = arith.constant 0 : i32
      %parallel_loop3A_72 = arith.cmpi ne, %parallel_loop3A_70, %parallel_loop3A_71 : i32
      %parallel_loop3A_73 = arith.constant 0 : i32
      %parallel_loop3A_74 = arith.cmpi slt, %parallel_loop3A_70, %parallel_loop3A_73 : i32
      %parallel_loop3A_75 = arith.constant 0 : i32
      %parallel_loop3A_76 = arith.cmpi slt, %parallel_loop3A_69, %parallel_loop3A_75 : i32
      %parallel_loop3A_77 = arith.xori %parallel_loop3A_74, %parallel_loop3A_76 : i1
      %parallel_loop3A_78 = arith.andi %parallel_loop3A_77, %parallel_loop3A_72 : i1
      %parallel_loop3A_79 = arith.addi %parallel_loop3A_70, %parallel_loop3A_69 : i32
      %parallel_loop3A_80 = arith.select %parallel_loop3A_78, %parallel_loop3A_79, %parallel_loop3A_70 : i32
      %parallel_loop3A_81 = arith.constant 16 : i32
      %parallel_loop3A_82 = arith.muli %parallel_loop3A_80, %parallel_loop3A_81 : i32
      %parallel_loop3A_83 = vector.broadcast %parallel_loop3A_82 : i32 to vector<16xi32>
      %parallel_loop3A_84 = arith.addi %parallel_loop3A_83, %iota3A : vector<16xi32>
      %parallel_loop3A_85 = arith.constant 257 : i32
      %parallel_loop3A_86 = vector.broadcast %parallel_loop3A_85 : i32 to vector<16xi32>
      %parallel_loop3A_87 = arith.muli %parallel_loop3A_84, %parallel_loop3A_86 : vector<16xi32>
      %parallel_loop3A_88 = arith.constant 4 : i32
      %parallel_loop3A_89 = arith.divsi %parallel_loop3A_64, %parallel_loop3A_88 : i32
      %parallel_loop3A_90 = arith.constant 0 : i32
      %parallel_loop3A_91 = arith.cmpi sgt, %parallel_loop3A_64, %parallel_loop3A_90 : i32
      %parallel_loop3A_92 = arith.extui %parallel_loop3A_91 : i1 to i32
      %parallel_loop3A_93 = arith.constant 0 : i32
      %parallel_loop3A_94 = arith.cmpi slt, %parallel_loop3A_64, %parallel_loop3A_93 : i32
      %parallel_loop3A_95 = arith.extui %parallel_loop3A_94 : i1 to i32
      %parallel_loop3A_96 = arith.subi %parallel_loop3A_92, %parallel_loop3A_95 : i32
      %parallel_loop3A_97 = arith.constant 0 : i32
      %parallel_loop3A_98 = arith.cmpi sgt, %parallel_loop3A_88, %parallel_loop3A_97 : i32
      %parallel_loop3A_99 = arith.extui %parallel_loop3A_98 : i1 to i32
      %parallel_loop3A_100 = arith.constant 0 : i32
      %parallel_loop3A_101 = arith.cmpi slt, %parallel_loop3A_88, %parallel_loop3A_100 : i32
      %parallel_loop3A_102 = arith.extui %parallel_loop3A_101 : i1 to i32
      %parallel_loop3A_103 = arith.subi %parallel_loop3A_99, %parallel_loop3A_102 : i32
      %parallel_loop3A_104 = arith.cmpi ne, %parallel_loop3A_96, %parallel_loop3A_103 : i32
      %parallel_loop3A_105 = arith.remsi %parallel_loop3A_64, %parallel_loop3A_88 : i32
      %parallel_loop3A_106 = arith.constant 0 : i32
      %parallel_loop3A_107 = arith.cmpi ne, %parallel_loop3A_105, %parallel_loop3A_106 : i32
      %parallel_loop3A_108 = arith.andi %parallel_loop3A_104, %parallel_loop3A_107 : i1
      %parallel_loop3A_109 = arith.constant 1 : i32
      %parallel_loop3A_110 = arith.subi %parallel_loop3A_89, %parallel_loop3A_109 : i32
      %parallel_loop3A_111 = arith.select %parallel_loop3A_108, %parallel_loop3A_110, %parallel_loop3A_89 : i32
      %parallel_loop3A_112 = vector.broadcast %parallel_loop3A_111 : i32 to vector<16xi32>
      %parallel_loop3A_113 = arith.addi %parallel_loop3A_87, %parallel_loop3A_112 : vector<16xi32>
      %parallel_loop3A_114 = arith.constant 16 : i32
      %parallel_loop3A_115 = arith.muli %parallel_loop3A_114, %parallel_loop3A_64 : i32
      %parallel_loop3A_116 = arith.index_cast %parallel_loop3A_115 : i32 to index
      %parallel_loop3A_117 = tpu.vector_load %arg11[%parallel_loop3A_116] {strides = array<i32>} : memref<16384xi32, #tpu.memory_space<vmem>>, vector<16xi32>,
      tpu.vector_store %arg11[%parallel_loop3A_116], %parallel_loop3A_113 {strides = array<i32>} : memref<16384xi32, #tpu.memory_space<vmem>>, vector<16xi32>,
    } {sc.loop_unroll_factor = 4 : i64, sc.parallel_access}
    %mul3A_5 = arith.constant 0 : i32
    %mul3A_6 = vector.broadcast %mul3A_5 : i32 to vector<16xi32>
    %mul3A_7 = arith.muli %iota3A, %mul3A_6 : vector<16xi32>
    "tpu.region"() ({
      %run_scoped3A = tpu.sem_alloc : memref<!tpu.dma_semaphore, #tpu.memory_space<semaphore_mem>>
      %dma_start3A_64 = arith.constant 0 : i32
      %dma_start3A_65 = tpu.memref_slice %arg2[%dma_start3A_64, %mul3A_2] : memref<200x4096xi32, #tpu.memory_space<hbm>> -> memref<2x128xi32, #tpu.memory_space<hbm>>
      %dma_start3A_66 = arith.constant 0 : i32
      %dma_start3A_67 = tpu.memref_slice %arg2[%dma_start3A_66, %mul3A_2] : memref<200x4096xi32, #tpu.memory_space<hbm>> -> memref<2x128xi32, #tpu.memory_space<hbm>>
      tpu.enqueue_dma source(%dma_start3A_67 : memref<2x128xi32, #tpu.memory_space<hbm>>) target(%arg5 : memref<2x128xi32, #tpu.memory_space<vmem>>) target_semaphore(%run_scoped3A : memref<!tpu.dma_semaphore, #tpu.memory_space<semaphore_mem>>)
      %dma_wait3A_68 = arith.constant 0 : i32
      %dma_wait3A_69 = tpu.memref_slice %arg2[%dma_wait3A_68, %mul3A_2] : memref<200x4096xi32, #tpu.memory_space<hbm>> -> memref<2x128xi32, #tpu.memory_space<hbm>>
      %dma_wait3A_70 = arith.constant 0 : i32
      %dma_wait3A_71 = tpu.memref_slice %arg2[%dma_wait3A_70, %mul3A_2] : memref<200x4096xi32, #tpu.memory_space<hbm>> -> memref<2x128xi32, #tpu.memory_space<hbm>>
      tpu.wait_dma2 semaphore(%run_scoped3A : memref<!tpu.dma_semaphore, #tpu.memory_space<semaphore_mem>>) src(%dma_wait3A_71 : memref<2x128xi32, #tpu.memory_space<hbm>>) dst(%arg5 : memref<2x128xi32, #tpu.memory_space<vmem>>)
      tpu.yield
    }) : () -> ()
    %dma_start3A = arith.constant 0 : i32
    %dma_start3A_8 = arith.constant 0 : i32
    %dma_start3A_9 = arith.constant 0 : i32
    %dma_start3A_10 = tpu.memref_slice %arg7[%dma_start3A_8, %dma_start3A_9] : memref<256x64xf32, #tpu.memory_space<vmem>> -> memref<128x64xf32, #tpu.memory_space<vmem>>
    %dma_start3A_11 = arith.constant 0 : i32
    %dma_start3A_12 = tpu.memref_slice %arg5[%dma_start3A, %dma_start3A_11] : memref<2x128xi32, #tpu.memory_space<vmem>> -> memref<1x128xi32, #tpu.memory_space<vmem>>
    %dma_start3A_13 = tpu.memref_squeeze %dma_start3A_12 : memref<1x128xi32, #tpu.memory_space<vmem>> -> memref<128xi32, #tpu.memory_space<vmem>>
    %dma_start3A_14 = arith.constant 0 : i32
    %dma_start3A_15 = arith.constant 0 : i32
    %dma_start3A_16 = tpu.memref_slice %arg3[%dma_start3A_14, %dma_start3A_15] : memref<1000000x64xf32, #tpu.memory_space<hbm>> -> memref<1000000x64xf32, #tpu.memory_space<hbm>>
    tpu.enqueue_indirect_dma source(%dma_start3A_16 : memref<1000000x64xf32, #tpu.memory_space<hbm>>) target(%dma_start3A_10 : memref<128x64xf32, #tpu.memory_space<vmem>>) offsets(%dma_start3A_13 : memref<128xi32, #tpu.memory_space<vmem>>) semaphore(%arg12 : memref<!tpu.dma_semaphore, #tpu.memory_space<semaphore_mem>>)
    %dma_start3A_17 = arith.constant 1 : i32
    %dma_start3A_18 = arith.constant 128 : i32
    %dma_start3A_19 = arith.constant 0 : i32
    %dma_start3A_20 = tpu.memref_slice %arg7[%dma_start3A_18, %dma_start3A_19] : memref<256x64xf32, #tpu.memory_space<vmem>> -> memref<128x64xf32, #tpu.memory_space<vmem>>
    %dma_start3A_21 = arith.constant 0 : i32
    %dma_start3A_22 = tpu.memref_slice %arg5[%dma_start3A_17, %dma_start3A_21] : memref<2x128xi32, #tpu.memory_space<vmem>> -> memref<1x128xi32, #tpu.memory_space<vmem>>
    %dma_start3A_23 = tpu.memref_squeeze %dma_start3A_22 : memref<1x128xi32, #tpu.memory_space<vmem>> -> memref<128xi32, #tpu.memory_space<vmem>>
    %dma_start3A_24 = arith.constant 0 : i32
    %dma_start3A_25 = arith.constant 0 : i32
    %dma_start3A_26 = tpu.memref_slice %arg3[%dma_start3A_24, %dma_start3A_25] : memref<1000000x64xf32, #tpu.memory_space<hbm>> -> memref<1000000x64xf32, #tpu.memory_space<hbm>>
    tpu.enqueue_indirect_dma source(%dma_start3A_26 : memref<1000000x64xf32, #tpu.memory_space<hbm>>) target(%dma_start3A_20 : memref<128x64xf32, #tpu.memory_space<vmem>>) offsets(%dma_start3A_23 : memref<128xi32, #tpu.memory_space<vmem>>) semaphore(%arg12 : memref<!tpu.dma_semaphore, #tpu.memory_space<semaphore_mem>>)
    %scan3A = arith.constant 0 : i32
    %scan3A_27 = arith.constant 0 : i32
    %scan3A_28 = arith.constant 50 : i32
    %scan3A_29 = arith.addi %scan3A_27, %scan3A_28 : i32
    %scan3A_30 = arith.constant 1 : i32
    %scan3A_31 = scf.for %scan3A_64 = %scan3A_27 to %scan3A_29 step %scan3A_30 iter_args(%scan3A_65 = %scan3A) -> (i32)  : i32 {
      %mul3A_66 = arith.constant 2 : i32
      %mul3A_67 = arith.muli %mul3A_66, %scan3A_64 : i32
      %add3A_68 = arith.constant 1 : i32
      %add3A_69 = arith.addi %mul3A_67, %add3A_68 : i32
      %jit3A = arith.constant 4 : i32
      %div3A = arith.divsi %add3A_69, %jit3A : i32
      %sign3A = arith.constant 0 : i32
      %sign3A_70 = arith.cmpi sgt, %add3A_69, %sign3A : i32
      %sign3A_71 = arith.extui %sign3A_70 : i1 to i32
      %sign3A_72 = arith.constant 0 : i32
      %sign3A_73 = arith.cmpi slt, %add3A_69, %sign3A_72 : i32
      %sign3A_74 = arith.extui %sign3A_73 : i1 to i32
      %sign3A_75 = arith.subi %sign3A_71, %sign3A_74 : i32
      %sign3A_76 = arith.constant 0 : i32
      %sign3A_77 = arith.cmpi sgt, %jit3A, %sign3A_76 : i32
      %sign3A_78 = arith.extui %sign3A_77 : i1 to i32
      %sign3A_79 = arith.constant 0 : i32
      %sign3A_80 = arith.cmpi slt, %jit3A, %sign3A_79 : i32
      %sign3A_81 = arith.extui %sign3A_80 : i1 to i32
      %sign3A_82 = arith.subi %sign3A_78, %sign3A_81 : i32
      %ne3A = arith.cmpi ne, %sign3A_75, %sign3A_82 : i32
      %rem3A = arith.remsi %add3A_69, %jit3A : i32
      %ne3A_83 = arith.constant 0 : i32
      %ne3A_84 = arith.cmpi ne, %rem3A, %ne3A_83 : i32
      %and3A = arith.andi %ne3A, %ne3A_84 : i1
      %sub3A = arith.constant 1 : i32
      %sub3A_85 = arith.subi %div3A, %sub3A : i32
      %select_n3A = arith.select %and3A, %sub3A_85, %div3A : i32
      %mul3A_86 = arith.constant 8 : i32
      %mul3A_87 = arith.muli %select_n3A, %mul3A_86 : i32
      %jit3A_88 = arith.constant 4 : i32
      %eq3A = arith.constant 0 : i32
      %eq3A_89 = arith.cmpi eq, %jit3A_88, %eq3A : i32
      %jit3A_90 = arith.constant 1 : i32
      %select_n3A_91 = arith.select %eq3A_89, %jit3A_90, %jit3A_88 : i32
      %rem3A_92 = arith.remsi %add3A_69, %select_n3A_91 : i32
      %ne3A_93 = arith.constant 0 : i32
      %ne3A_94 = arith.cmpi ne, %rem3A_92, %ne3A_93 : i32
      %lt3A = arith.constant 0 : i32
      %lt3A_95 = arith.cmpi slt, %rem3A_92, %lt3A : i32
      %lt3A_96 = arith.constant 0 : i32
      %lt3A_97 = arith.cmpi slt, %select_n3A_91, %lt3A_96 : i32
      %ne3A_98 = arith.xori %lt3A_95, %lt3A_97 : i1
      %and3A_99 = arith.andi %ne3A_98, %ne3A_94 : i1
      %add3A_100 = arith.addi %rem3A_92, %select_n3A_91 : i32
      %select_n3A_101 = arith.select %and3A_99, %add3A_100, %rem3A_92 : i32
      %mul3A_102 = arith.constant 2 : i32
      %mul3A_103 = arith.muli %select_n3A_101, %mul3A_102 : i32
      %add3A_104 = arith.addi %mul3A_87, %mul3A_103 : i32
      "tpu.region"() ({
        %run_scoped3A = tpu.sem_alloc : memref<!tpu.dma_semaphore, #tpu.memory_space<semaphore_mem>>
        %dma_start3A_308 = tpu.memref_slice %arg2[%add3A_104, %mul3A_2] : memref<200x4096xi32, #tpu.memory_space<hbm>> -> memref<2x128xi32, #tpu.memory_space<hbm>>
        %dma_start3A_309 = tpu.memref_slice %arg2[%add3A_104, %mul3A_2] : memref<200x4096xi32, #tpu.memory_space<hbm>> -> memref<2x128xi32, #tpu.memory_space<hbm>>
        tpu.enqueue_dma source(%dma_start3A_309 : memref<2x128xi32, #tpu.memory_space<hbm>>) target(%arg6 : memref<2x128xi32, #tpu.memory_space<vmem>>) target_semaphore(%run_scoped3A : memref<!tpu.dma_semaphore, #tpu.memory_space<semaphore_mem>>)
        %dma_wait3A_310 = tpu.memref_slice %arg2[%add3A_104, %mul3A_2] : memref<200x4096xi32, #tpu.memory_space<hbm>> -> memref<2x128xi32, #tpu.memory_space<hbm>>
        %dma_wait3A_311 = tpu.memref_slice %arg2[%add3A_104, %mul3A_2] : memref<200x4096xi32, #tpu.memory_space<hbm>> -> memref<2x128xi32, #tpu.memory_space<hbm>>
        tpu.wait_dma2 semaphore(%run_scoped3A : memref<!tpu.dma_semaphore, #tpu.memory_space<semaphore_mem>>) src(%dma_wait3A_311 : memref<2x128xi32, #tpu.memory_space<hbm>>) dst(%arg6 : memref<2x128xi32, #tpu.memory_space<vmem>>)
        tpu.yield
      }) : () -> ()
      %dma_start3A_105 = arith.constant 0 : i32
      %dma_start3A_106 = arith.constant 0 : i32
      %dma_start3A_107 = arith.constant 0 : i32
      %dma_start3A_108 = tpu.memref_slice %arg8[%dma_start3A_106, %dma_start3A_107] : memref<256x64xf32, #tpu.memory_space<vmem>> -> memref<128x64xf32, #tpu.memory_space<vmem>>
      %dma_start3A_109 = arith.constant 0 : i32
      %dma_start3A_110 = tpu.memref_slice %arg6[%dma_start3A_105, %dma_start3A_109] : memref<2x128xi32, #tpu.memory_space<vmem>> -> memref<1x128xi32, #tpu.memory_space<vmem>>
      %dma_start3A_111 = tpu.memref_squeeze %dma_start3A_110 : memref<1x128xi32, #tpu.memory_space<vmem>> -> memref<128xi32, #tpu.memory_space<vmem>>
      %dma_start3A_112 = arith.constant 0 : i32
      %dma_start3A_113 = arith.constant 0 : i32
      %dma_start3A_114 = tpu.memref_slice %arg3[%dma_start3A_112, %dma_start3A_113] : memref<1000000x64xf32, #tpu.memory_space<hbm>> -> memref<1000000x64xf32, #tpu.memory_space<hbm>>
      tpu.enqueue_indirect_dma source(%dma_start3A_114 : memref<1000000x64xf32, #tpu.memory_space<hbm>>) target(%dma_start3A_108 : memref<128x64xf32, #tpu.memory_space<vmem>>) offsets(%dma_start3A_111 : memref<128xi32, #tpu.memory_space<vmem>>) semaphore(%arg13 : memref<!tpu.dma_semaphore, #tpu.memory_space<semaphore_mem>>)
      %dma_start3A_115 = arith.constant 1 : i32
      %dma_start3A_116 = arith.constant 128 : i32
      %dma_start3A_117 = arith.constant 0 : i32
      %dma_start3A_118 = tpu.memref_slice %arg8[%dma_start3A_116, %dma_start3A_117] : memref<256x64xf32, #tpu.memory_space<vmem>> -> memref<128x64xf32, #tpu.memory_space<vmem>>
      %dma_start3A_119 = arith.constant 0 : i32
      %dma_start3A_120 = tpu.memref_slice %arg6[%dma_start3A_115, %dma_start3A_119] : memref<2x128xi32, #tpu.memory_space<vmem>> -> memref<1x128xi32, #tpu.memory_space<vmem>>
      %dma_start3A_121 = tpu.memref_squeeze %dma_start3A_120 : memref<1x128xi32, #tpu.memory_space<vmem>> -> memref<128xi32, #tpu.memory_space<vmem>>
      %dma_start3A_122 = arith.constant 0 : i32
      %dma_start3A_123 = arith.constant 0 : i32
      %dma_start3A_124 = tpu.memref_slice %arg3[%dma_start3A_122, %dma_start3A_123] : memref<1000000x64xf32, #tpu.memory_space<hbm>> -> memref<1000000x64xf32, #tpu.memory_space<hbm>>
      tpu.enqueue_indirect_dma source(%dma_start3A_124 : memref<1000000x64xf32, #tpu.memory_space<hbm>>) target(%dma_start3A_118 : memref<128x64xf32, #tpu.memory_space<vmem>>) offsets(%dma_start3A_121 : memref<128xi32, #tpu.memory_space<vmem>>) semaphore(%arg13 : memref<!tpu.dma_semaphore, #tpu.memory_space<semaphore_mem>>)
      %dma_wait3A_125 = arith.constant 0 : i32
      %dma_wait3A_126 = arith.constant 0 : i32
      %dma_wait3A_127 = tpu.memref_slice %arg7[%dma_wait3A_125, %dma_wait3A_126] : memref<256x64xf32, #tpu.memory_space<vmem>> -> memref<128x64xf32, #tpu.memory_space<vmem>>
      %dma_wait3A_128 = arith.constant 0 : i32
      %dma_wait3A_129 = arith.constant 0 : i32
      %dma_wait3A_130 = tpu.memref_slice %arg3[%dma_wait3A_128, %dma_wait3A_129] : memref<1000000x64xf32, #tpu.memory_space<hbm>> -> memref<128x64xf32, #tpu.memory_space<hbm>>
      %dma_wait3A_131 = arith.constant 0 : i32
      %dma_wait3A_132 = arith.constant 0 : i32
      %dma_wait3A_133 = tpu.memref_slice %arg7[%dma_wait3A_131, %dma_wait3A_132] : memref<256x64xf32, #tpu.memory_space<vmem>> -> memref<128x64xf32, #tpu.memory_space<vmem>>
      %dma_wait3A_134 = arith.constant 0 : i32
      %dma_wait3A_135 = arith.constant 0 : i32
      %dma_wait3A_136 = tpu.memref_slice %arg3[%dma_wait3A_134, %dma_wait3A_135] : memref<1000000x64xf32, #tpu.memory_space<hbm>> -> memref<128x64xf32, #tpu.memory_space<hbm>>
      tpu.wait_dma2 semaphore(%arg12 : memref<!tpu.dma_semaphore, #tpu.memory_space<semaphore_mem>>) src(%dma_wait3A_136 : memref<128x64xf32, #tpu.memory_space<hbm>>) dst(%dma_wait3A_133 : memref<128x64xf32, #tpu.memory_space<vmem>>)
      %dma_wait3A_137 = arith.constant 128 : i32
      %dma_wait3A_138 = arith.constant 0 : i32
      %dma_wait3A_139 = tpu.memref_slice %arg7[%dma_wait3A_137, %dma_wait3A_138] : memref<256x64xf32, #tpu.memory_space<vmem>> -> memref<128x64xf32, #tpu.memory_space<vmem>>
      %dma_wait3A_140 = arith.constant 0 : i32
      %dma_wait3A_141 = arith.constant 0 : i32
      %dma_wait3A_142 = tpu.memref_slice %arg3[%dma_wait3A_140, %dma_wait3A_141] : memref<1000000x64xf32, #tpu.memory_space<hbm>> -> memref<128x64xf32, #tpu.memory_space<hbm>>
      %dma_wait3A_143 = arith.constant 128 : i32
      %dma_wait3A_144 = arith.constant 0 : i32
      %dma_wait3A_145 = tpu.memref_slice %arg7[%dma_wait3A_143, %dma_wait3A_144] : memref<256x64xf32, #tpu.memory_space<vmem>> -> memref<128x64xf32, #tpu.memory_space<vmem>>
      %dma_wait3A_146 = arith.constant 0 : i32
      %dma_wait3A_147 = arith.constant 0 : i32
      %dma_wait3A_148 = tpu.memref_slice %arg3[%dma_wait3A_146, %dma_wait3A_147] : memref<1000000x64xf32, #tpu.memory_space<hbm>> -> memref<128x64xf32, #tpu.memory_space<hbm>>
      tpu.wait_dma2 semaphore(%arg12 : memref<!tpu.dma_semaphore, #tpu.memory_space<semaphore_mem>>) src(%dma_wait3A_148 : memref<128x64xf32, #tpu.memory_space<hbm>>) dst(%dma_wait3A_145 : memref<128x64xf32, #tpu.memory_space<vmem>>)
      %gt3A = arith.constant 0 : i32
      %gt3A_149 = arith.cmpi sgt, %scan3A_64, %gt3A : i32
      %convert_element_type3A = arith.extui %gt3A_149 : i1 to i32
      %cond3A = arith.constant 0 : i32
      %cond3A_150 = arith.cmpi ne, %convert_element_type3A, %cond3A : i32
      scf.if %cond3A_150 {
        %dma_wait3A_308 = arith.constant 0 : i32
        %dma_wait3A_309 = arith.constant 0 : i32
        %dma_wait3A_310 = arith.constant 0 : i32
        %dma_wait3A_311 = arith.constant 0 : i32
        %dma_wait3A_312 = tpu.memref_slice %arg9[%dma_wait3A_310, %dma_wait3A_311] : memref<64x257xf32, #tpu.memory_space<vmem>> -> memref<64x256xf32, #tpu.memory_space<vmem>>
        %dma_wait3A_313 = arith.constant 0 : i32
        %dma_wait3A_314 = arith.constant 0 : i32
        %dma_wait3A_315 = tpu.memref_slice %arg4[%dma_wait3A_313, %dma_wait3A_308, %dma_wait3A_309, %dma_wait3A_314] : memref<64x25x32x1024xf32, #tpu.memory_space<hbm>> -> memref<64x1x1x256xf32, #tpu.memory_space<hbm>>
        %dma_wait3A_316 = tpu.memref_squeeze %dma_wait3A_315 : memref<64x1x1x256xf32, #tpu.memory_space<hbm>> -> memref<64x256xf32, #tpu.memory_space<hbm>>
        %dma_wait3A_317 = arith.constant 0 : i32
        %dma_wait3A_318 = arith.constant 0 : i32
        %dma_wait3A_319 = tpu.memref_slice %arg9[%dma_wait3A_317, %dma_wait3A_318] : memref<64x257xf32, #tpu.memory_space<vmem>> -> memref<64x256xf32, #tpu.memory_space<vmem>>
        %dma_wait3A_320 = arith.constant 0 : i32
        %dma_wait3A_321 = arith.constant 0 : i32
        %dma_wait3A_322 = tpu.memref_slice %arg4[%dma_wait3A_320, %dma_wait3A_308, %dma_wait3A_309, %dma_wait3A_321] : memref<64x25x32x1024xf32, #tpu.memory_space<hbm>> -> memref<64x1x1x256xf32, #tpu.memory_space<hbm>>
        %dma_wait3A_323 = tpu.memref_squeeze %dma_wait3A_322 : memref<64x1x1x256xf32, #tpu.memory_space<hbm>> -> memref<64x256xf32, #tpu.memory_space<hbm>>
        tpu.wait_dma2 semaphore(%arg14 : memref<!tpu.dma_semaphore, #tpu.memory_space<semaphore_mem>>) src(%dma_wait3A_323 : memref<64x256xf32, #tpu.memory_space<hbm>>) dst(%dma_wait3A_319 : memref<64x256xf32, #tpu.memory_space<vmem>>)
      } else {
      }
      %scan3A_151 = arith.constant 0 : i32
      %scan3A_152 = arith.constant 0 : i32
      %scan3A_153 = arith.constant 128 : i32
      %scan3A_154 = arith.addi %scan3A_152, %scan3A_153 : i32
      %scan3A_155 = arith.constant 1 : i32
      %scan3A_156 = scf.for %scan3A_308 = %scan3A_152 to %scan3A_154 step %scan3A_155 iter_args(%scan3A_309 = %scan3A_151) -> (i32)  : i32 {
        %mul3A_310 = arith.constant 8 : i32
        %mul3A_311 = arith.muli %mul3A_310, %scan3A_308 : i32
        %add3A_312 = arith.constant 0 : i32
        %add3A_313 = arith.addi %mul3A_311, %add3A_312 : i32
        %mul3A_314 = arith.constant 2 : i32
        %mul3A_315 = arith.muli %mul3A_314, %scan3A_308 : i32
        %add3A_316 = arith.constant 0 : i32
        %add3A_317 = arith.addi %mul3A_315, %add3A_316 : i32
        %get3A = arith.index_cast %add3A_317 : i32 to index
        %get3A_318 = arith.constant 0 : index
        %get3A_319 = tpu.vector_load %arg7[%get3A, %get3A_318] {strides = array<i32>} : memref<256x64xf32, #tpu.memory_space<vmem>>, vector<16xf32>,
        %mul3A_320 = arith.constant 16 : i32
        %mul3A_321 = arith.muli %mul3A_320, %add3A_313 : i32
        %get3A_322 = arith.index_cast %mul3A_321 : i32 to index
        %get3A_323 = tpu.vector_load %arg11[%get3A_322] {strides = array<i32>} : memref<16384xi32, #tpu.memory_space<vmem>>, vector<16xi32>,
        tpu.vector_store_idx %arg9[%mul3A_7, %get3A_323], %get3A_319 : memref<64x257xf32, #tpu.memory_space<vmem>>[vector<16xi32>, vector<16xi32>], vector<16xf32>,
        %mul3A_324 = arith.constant 8 : i32
        %mul3A_325 = arith.muli %mul3A_324, %scan3A_308 : i32
        %add3A_326 = arith.constant 1 : i32
        %add3A_327 = arith.addi %mul3A_325, %add3A_326 : i32
        %mul3A_328 = arith.constant 2 : i32
        %mul3A_329 = arith.muli %mul3A_328, %scan3A_308 : i32
        %add3A_330 = arith.constant 0 : i32
        %add3A_331 = arith.addi %mul3A_329, %add3A_330 : i32
        %get3A_332 = arith.index_cast %add3A_331 : i32 to index
        %get3A_333 = arith.constant 16 : index
        %get3A_334 = tpu.vector_load %arg7[%get3A_332, %get3A_333] {strides = array<i32>} : memref<256x64xf32, #tpu.memory_space<vmem>>, vector<16xf32>,
        %mul3A_335 = arith.constant 16 : i32
        %mul3A_336 = arith.muli %mul3A_335, %add3A_327 : i32
        %get3A_337 = arith.index_cast %mul3A_336 : i32 to index
        %get3A_338 = tpu.vector_load %arg11[%get3A_337] {strides = array<i32>} : memref<16384xi32, #tpu.memory_space<vmem>>, vector<16xi32>,
        tpu.vector_store_idx %arg9[%mul3A_7, %get3A_338], %get3A_334 : memref<64x257xf32, #tpu.memory_space<vmem>>[vector<16xi32>, vector<16xi32>], vector<16xf32>,
        %mul3A_339 = arith.constant 8 : i32
        %mul3A_340 = arith.muli %mul3A_339, %scan3A_308 : i32
        %add3A_341 = arith.constant 2 : i32
        %add3A_342 = arith.addi %mul3A_340, %add3A_341 : i32
        %mul3A_343 = arith.constant 2 : i32
        %mul3A_344 = arith.muli %mul3A_343, %scan3A_308 : i32
        %add3A_345 = arith.constant 0 : i32
        %add3A_346 = arith.addi %mul3A_344, %add3A_345 : i32
        %get3A_347 = arith.index_cast %add3A_346 : i32 to index
        %get3A_348 = arith.constant 32 : index
        %get3A_349 = tpu.vector_load %arg7[%get3A_347, %get3A_348] {strides = array<i32>} : memref<256x64xf32, #tpu.memory_space<vmem>>, vector<16xf32>,
        %mul3A_350 = arith.constant 16 : i32
        %mul3A_351 = arith.muli %mul3A_350, %add3A_342 : i32
        %get3A_352 = arith.index_cast %mul3A_351 : i32 to index
        %get3A_353 = tpu.vector_load %arg11[%get3A_352] {strides = array<i32>} : memref<16384xi32, #tpu.memory_space<vmem>>, vector<16xi32>,
        tpu.vector_store_idx %arg9[%mul3A_7, %get3A_353], %get3A_349 : memref<64x257xf32, #tpu.memory_space<vmem>>[vector<16xi32>, vector<16xi32>], vector<16xf32>,
        %mul3A_354 = arith.constant 8 : i32
        %mul3A_355 = arith.muli %mul3A_354, %scan3A_308 : i32
        %add3A_356 = arith.constant 3 : i32
        %add3A_357 = arith.addi %mul3A_355, %add3A_356 : i32
        %mul3A_358 = arith.constant 2 : i32
        %mul3A_359 = arith.muli %mul3A_358, %scan3A_308 : i32
        %add3A_360 = arith.constant 0 : i32
        %add3A_361 = arith.addi %mul3A_359, %add3A_360 : i32
        %get3A_362 = arith.index_cast %add3A_361 : i32 to index
        %get3A_363 = arith.constant 48 : index
        %get3A_364 = tpu.vector_load %arg7[%get3A_362, %get3A_363] {strides = array<i32>} : memref<256x64xf32, #tpu.memory_space<vmem>>, vector<16xf32>,
        %mul3A_365 = arith.constant 16 : i32
        %mul3A_366 = arith.muli %mul3A_365, %add3A_357 : i32
        %get3A_367 = arith.index_cast %mul3A_366 : i32 to index
        %get3A_368 = tpu.vector_load %arg11[%get3A_367] {strides = array<i32>} : memref<16384xi32, #tpu.memory_space<vmem>>, vector<16xi32>,
        tpu.vector_store_idx %arg9[%mul3A_7, %get3A_368], %get3A_364 : memref<64x257xf32, #tpu.memory_space<vmem>>[vector<16xi32>, vector<16xi32>], vector<16xf32>,
        %mul3A_369 = arith.constant 8 : i32
        %mul3A_370 = arith.muli %mul3A_369, %scan3A_308 : i32
        %add3A_371 = arith.constant 4 : i32
        %add3A_372 = arith.addi %mul3A_370, %add3A_371 : i32
        %mul3A_373 = arith.constant 2 : i32
        %mul3A_374 = arith.muli %mul3A_373, %scan3A_308 : i32
        %add3A_375 = arith.constant 1 : i32
        %add3A_376 = arith.addi %mul3A_374, %add3A_375 : i32
        %get3A_377 = arith.index_cast %add3A_376 : i32 to index
        %get3A_378 = arith.constant 0 : index
        %get3A_379 = tpu.vector_load %arg7[%get3A_377, %get3A_378] {strides = array<i32>} : memref<256x64xf32, #tpu.memory_space<vmem>>, vector<16xf32>,
        %mul3A_380 = arith.constant 16 : i32
        %mul3A_381 = arith.muli %mul3A_380, %add3A_372 : i32
        %get3A_382 = arith.index_cast %mul3A_381 : i32 to index
        %get3A_383 = tpu.vector_load %arg11[%get3A_382] {strides = array<i32>} : memref<16384xi32, #tpu.memory_space<vmem>>, vector<16xi32>,
        tpu.vector_store_idx %arg9[%mul3A_7, %get3A_383], %get3A_379 : memref<64x257xf32, #tpu.memory_space<vmem>>[vector<16xi32>, vector<16xi32>], vector<16xf32>,
        %mul3A_384 = arith.constant 8 : i32
        %mul3A_385 = arith.muli %mul3A_384, %scan3A_308 : i32
        %add3A_386 = arith.constant 5 : i32
        %add3A_387 = arith.addi %mul3A_385, %add3A_386 : i32
        %mul3A_388 = arith.constant 2 : i32
        %mul3A_389 = arith.muli %mul3A_388, %scan3A_308 : i32
        %add3A_390 = arith.constant 1 : i32
        %add3A_391 = arith.addi %mul3A_389, %add3A_390 : i32
        %get3A_392 = arith.index_cast %add3A_391 : i32 to index
        %get3A_393 = arith.constant 16 : index
        %get3A_394 = tpu.vector_load %arg7[%get3A_392, %get3A_393] {strides = array<i32>} : memref<256x64xf32, #tpu.memory_space<vmem>>, vector<16xf32>,
        %mul3A_395 = arith.constant 16 : i32
        %mul3A_396 = arith.muli %mul3A_395, %add3A_387 : i32
        %get3A_397 = arith.index_cast %mul3A_396 : i32 to index
        %get3A_398 = tpu.vector_load %arg11[%get3A_397] {strides = array<i32>} : memref<16384xi32, #tpu.memory_space<vmem>>, vector<16xi32>,
        tpu.vector_store_idx %arg9[%mul3A_7, %get3A_398], %get3A_394 : memref<64x257xf32, #tpu.memory_space<vmem>>[vector<16xi32>, vector<16xi32>], vector<16xf32>,
        %mul3A_399 = arith.constant 8 : i32
        %mul3A_400 = arith.muli %mul3A_399, %scan3A_308 : i32
        %add3A_401 = arith.constant 6 : i32
        %add3A_402 = arith.addi %mul3A_400, %add3A_401 : i32
        %mul3A_403 = arith.constant 2 : i32
        %mul3A_404 = arith.muli %mul3A_403, %scan3A_308 : i32
        %add3A_405 = arith.constant 1 : i32
        %add3A_406 = arith.addi %mul3A_404, %add3A_405 : i32
        %get3A_407 = arith.index_cast %add3A_406 : i32 to index
        %get3A_408 = arith.constant 32 : index
        %get3A_409 = tpu.vector_load %arg7[%get3A_407, %get3A_408] {strides = array<i32>} : memref<256x64xf32, #tpu.memory_space<vmem>>, vector<16xf32>,
        %mul3A_410 = arith.constant 16 : i32
        %mul3A_411 = arith.muli %mul3A_410, %add3A_402 : i32
        %get3A_412 = arith.index_cast %mul3A_411 : i32 to index
        %get3A_413 = tpu.vector_load %arg11[%get3A_412] {strides = array<i32>} : memref<16384xi32, #tpu.memory_space<vmem>>, vector<16xi32>,
        tpu.vector_store_idx %arg9[%mul3A_7, %get3A_413], %get3A_409 : memref<64x257xf32, #tpu.memory_space<vmem>>[vector<16xi32>, vector<16xi32>], vector<16xf32>,
        %mul3A_414 = arith.constant 8 : i32
        %mul3A_415 = arith.muli %mul3A_414, %scan3A_308 : i32
        %add3A_416 = arith.constant 7 : i32
        %add3A_417 = arith.addi %mul3A_415, %add3A_416 : i32
        %mul3A_418 = arith.constant 2 : i32
        %mul3A_419 = arith.muli %mul3A_418, %scan3A_308 : i32
        %add3A_420 = arith.constant 1 : i32
        %add3A_421 = arith.addi %mul3A_419, %add3A_420 : i32
        %get3A_422 = arith.index_cast %add3A_421 : i32 to index
        %get3A_423 = arith.constant 48 : index
        %get3A_424 = tpu.vector_load %arg7[%get3A_422, %get3A_423] {strides = array<i32>} : memref<256x64xf32, #tpu.memory_space<vmem>>, vector<16xf32>,
        %mul3A_425 = arith.constant 16 : i32
        %mul3A_426 = arith.muli %mul3A_425, %add3A_417 : i32
        %get3A_427 = arith.index_cast %mul3A_426 : i32 to index
        %get3A_428 = tpu.vector_load %arg11[%get3A_427] {strides = array<i32>} : memref<16384xi32, #tpu.memory_space<vmem>>, vector<16xi32>,
        tpu.vector_store_idx %arg9[%mul3A_7, %get3A_428], %get3A_424 : memref<64x257xf32, #tpu.memory_space<vmem>>[vector<16xi32>, vector<16xi32>], vector<16xf32>,
        %scan3A_429 = arith.constant 0 : i32
        scf.yield %scan3A_429 : i32
      }
      %scan3A_157 = arith.constant 128 : i32
      %jit3A_158 = arith.constant 4 : i32
      %div3A_159 = arith.divsi %mul3A_67, %jit3A_158 : i32
      %sign3A_160 = arith.constant 0 : i32
      %sign3A_161 = arith.cmpi sgt, %mul3A_67, %sign3A_160 : i32
      %sign3A_162 = arith.extui %sign3A_161 : i1 to i32
      %sign3A_163 = arith.constant 0 : i32
      %sign3A_164 = arith.cmpi slt, %mul3A_67, %sign3A_163 : i32
      %sign3A_165 = arith.extui %sign3A_164 : i1 to i32
      %sign3A_166 = arith.subi %sign3A_162, %sign3A_165 : i32
      %sign3A_167 = arith.constant 0 : i32
      %sign3A_168 = arith.cmpi sgt, %jit3A_158, %sign3A_167 : i32
      %sign3A_169 = arith.extui %sign3A_168 : i1 to i32
      %sign3A_170 = arith.constant 0 : i32
      %sign3A_171 = arith.cmpi slt, %jit3A_158, %sign3A_170 : i32
      %sign3A_172 = arith.extui %sign3A_171 : i1 to i32
      %sign3A_173 = arith.subi %sign3A_169, %sign3A_172 : i32
      %ne3A_174 = arith.cmpi ne, %sign3A_166, %sign3A_173 : i32
      %rem3A_175 = arith.remsi %mul3A_67, %jit3A_158 : i32
      %ne3A_176 = arith.constant 0 : i32
      %ne3A_177 = arith.cmpi ne, %rem3A_175, %ne3A_176 : i32
      %and3A_178 = arith.andi %ne3A_174, %ne3A_177 : i1
      %sub3A_179 = arith.constant 1 : i32
      %sub3A_180 = arith.subi %div3A_159, %sub3A_179 : i32
      %select_n3A_181 = arith.select %and3A_178, %sub3A_180, %div3A_159 : i32
      %jit3A_182 = arith.constant 4 : i32
      %eq3A_183 = arith.constant 0 : i32
      %eq3A_184 = arith.cmpi eq, %jit3A_182, %eq3A_183 : i32
      %jit3A_185 = arith.constant 1 : i32
      %select_n3A_186 = arith.select %eq3A_184, %jit3A_185, %jit3A_182 : i32
      %rem3A_187 = arith.remsi %mul3A_67, %select_n3A_186 : i32
      %ne3A_188 = arith.constant 0 : i32
      %ne3A_189 = arith.cmpi ne, %rem3A_187, %ne3A_188 : i32
      %lt3A_190 = arith.constant 0 : i32
      %lt3A_191 = arith.cmpi slt, %rem3A_187, %lt3A_190 : i32
      %lt3A_192 = arith.constant 0 : i32
      %lt3A_193 = arith.cmpi slt, %select_n3A_186, %lt3A_192 : i32
      %ne3A_194 = arith.xori %lt3A_191, %lt3A_193 : i1
      %and3A_195 = arith.andi %ne3A_194, %ne3A_189 : i1
      %add3A_196 = arith.addi %rem3A_187, %select_n3A_186 : i32
      %select_n3A_197 = arith.select %and3A_195, %add3A_196, %rem3A_187 : i32
      %mul3A_198 = arith.constant 256 : i32
      %mul3A_199 = arith.muli %select_n3A_197, %mul3A_198 : i32
      %dma_start3A_200 = arith.constant 0 : i32
      %dma_start3A_201 = arith.constant 0 : i32
      %dma_start3A_202 = tpu.memref_slice %arg9[%dma_start3A_200, %dma_start3A_201] : memref<64x257xf32, #tpu.memory_space<vmem>> -> memref<64x256xf32, #tpu.memory_space<vmem>>
      %dma_start3A_203 = arith.constant 0 : i32
      %dma_start3A_204 = tpu.memref_slice %arg4[%dma_start3A_203, %select_n3A_181, %add3A, %mul3A_199] : memref<64x25x32x1024xf32, #tpu.memory_space<hbm>> -> memref<64x1x1x256xf32, #tpu.memory_space<hbm>>
      %dma_start3A_205 = tpu.memref_squeeze %dma_start3A_204 : memref<64x1x1x256xf32, #tpu.memory_space<hbm>> -> memref<64x256xf32, #tpu.memory_space<hbm>>
      %dma_start3A_206 = arith.constant 0 : i32
      %dma_start3A_207 = tpu.memref_slice %arg4[%dma_start3A_206, %select_n3A_181, %add3A, %mul3A_199] : memref<64x25x32x1024xf32, #tpu.memory_space<hbm>> -> memref<64x1x1x256xf32, #tpu.memory_space<hbm>>
      %dma_start3A_208 = tpu.memref_squeeze %dma_start3A_207 : memref<64x1x1x256xf32, #tpu.memory_space<hbm>> -> memref<64x256xf32, #tpu.memory_space<hbm>>
      %dma_start3A_209 = arith.constant 0 : i32
      %dma_start3A_210 = arith.constant 0 : i32
      %dma_start3A_211 = tpu.memref_slice %arg9[%dma_start3A_209, %dma_start3A_210] : memref<64x257xf32, #tpu.memory_space<vmem>> -> memref<64x256xf32, #tpu.memory_space<vmem>>
      tpu.enqueue_dma source(%dma_start3A_211 : memref<64x256xf32, #tpu.memory_space<vmem>>) target(%dma_start3A_208 : memref<64x256xf32, #tpu.memory_space<hbm>>) target_semaphore(%arg14 : memref<!tpu.dma_semaphore, #tpu.memory_space<semaphore_mem>>)
      %lt3A_212 = arith.constant 49 : i32
      %lt3A_213 = arith.cmpi slt, %scan3A_64, %lt3A_212 : i32
      %convert_element_type3A_214 = arith.extui %lt3A_213 : i1 to i32
      %cond3A_215 = arith.constant 0 : i32
      %cond3A_216 = arith.cmpi ne, %convert_element_type3A_214, %cond3A_215 : i32
      scf.if %cond3A_216 {
        %add3A_308 = arith.constant 2 : i32
        %add3A_309 = arith.addi %mul3A_67, %add3A_308 : i32
        %jit3A_310 = arith.constant 4 : i32
        %div3A_311 = arith.divsi %add3A_309, %jit3A_310 : i32
        %sign3A_312 = arith.constant 0 : i32
        %sign3A_313 = arith.cmpi sgt, %add3A_309, %sign3A_312 : i32
        %sign3A_314 = arith.extui %sign3A_313 : i1 to i32
        %sign3A_315 = arith.constant 0 : i32
        %sign3A_316 = arith.cmpi slt, %add3A_309, %sign3A_315 : i32
        %sign3A_317 = arith.extui %sign3A_316 : i1 to i32
        %sign3A_318 = arith.subi %sign3A_314, %sign3A_317 : i32
        %sign3A_319 = arith.constant 0 : i32
        %sign3A_320 = arith.cmpi sgt, %jit3A_310, %sign3A_319 : i32
        %sign3A_321 = arith.extui %sign3A_320 : i1 to i32
        %sign3A_322 = arith.constant 0 : i32
        %sign3A_323 = arith.cmpi slt, %jit3A_310, %sign3A_322 : i32
        %sign3A_324 = arith.extui %sign3A_323 : i1 to i32
        %sign3A_325 = arith.subi %sign3A_321, %sign3A_324 : i32
        %ne3A_326 = arith.cmpi ne, %sign3A_318, %sign3A_325 : i32
        %rem3A_327 = arith.remsi %add3A_309, %jit3A_310 : i32
        %ne3A_328 = arith.constant 0 : i32
        %ne3A_329 = arith.cmpi ne, %rem3A_327, %ne3A_328 : i32
        %and3A_330 = arith.andi %ne3A_326, %ne3A_329 : i1
        %sub3A_331 = arith.constant 1 : i32
        %sub3A_332 = arith.subi %div3A_311, %sub3A_331 : i32
        %select_n3A_333 = arith.select %and3A_330, %sub3A_332, %div3A_311 : i32
        %mul3A_334 = arith.constant 8 : i32
        %mul3A_335 = arith.muli %select_n3A_333, %mul3A_334 : i32
        %jit3A_336 = arith.constant 4 : i32
        %eq3A_337 = arith.constant 0 : i32
        %eq3A_338 = arith.cmpi eq, %jit3A_336, %eq3A_337 : i32
        %jit3A_339 = arith.constant 1 : i32
        %select_n3A_340 = arith.select %eq3A_338, %jit3A_339, %jit3A_336 : i32
        %rem3A_341 = arith.remsi %add3A_309, %select_n3A_340 : i32
        %ne3A_342 = arith.constant 0 : i32
        %ne3A_343 = arith.cmpi ne, %rem3A_341, %ne3A_342 : i32
        %lt3A_344 = arith.constant 0 : i32
        %lt3A_345 = arith.cmpi slt, %rem3A_341, %lt3A_344 : i32
        %lt3A_346 = arith.constant 0 : i32
        %lt3A_347 = arith.cmpi slt, %select_n3A_340, %lt3A_346 : i32
        %ne3A_348 = arith.xori %lt3A_345, %lt3A_347 : i1
        %and3A_349 = arith.andi %ne3A_348, %ne3A_343 : i1
        %add3A_350 = arith.addi %rem3A_341, %select_n3A_340 : i32
        %select_n3A_351 = arith.select %and3A_349, %add3A_350, %rem3A_341 : i32
        %mul3A_352 = arith.constant 2 : i32
        %mul3A_353 = arith.muli %select_n3A_351, %mul3A_352 : i32
        %add3A_354 = arith.addi %mul3A_335, %mul3A_353 : i32
        "tpu.region"() ({
          %run_scoped3A = tpu.sem_alloc : memref<!tpu.dma_semaphore, #tpu.memory_space<semaphore_mem>>
          %dma_start3A_375 = tpu.memref_slice %arg2[%add3A_354, %mul3A_2] : memref<200x4096xi32, #tpu.memory_space<hbm>> -> memref<2x128xi32, #tpu.memory_space<hbm>>
          %dma_start3A_376 = tpu.memref_slice %arg2[%add3A_354, %mul3A_2] : memref<200x4096xi32, #tpu.memory_space<hbm>> -> memref<2x128xi32, #tpu.memory_space<hbm>>
          tpu.enqueue_dma source(%dma_start3A_376 : memref<2x128xi32, #tpu.memory_space<hbm>>) target(%arg5 : memref<2x128xi32, #tpu.memory_space<vmem>>) target_semaphore(%run_scoped3A : memref<!tpu.dma_semaphore, #tpu.memory_space<semaphore_mem>>)
          %dma_wait3A_377 = tpu.memref_slice %arg2[%add3A_354, %mul3A_2] : memref<200x4096xi32, #tpu.memory_space<hbm>> -> memref<2x128xi32, #tpu.memory_space<hbm>>
          %dma_wait3A_378 = tpu.memref_slice %arg2[%add3A_354, %mul3A_2] : memref<200x4096xi32, #tpu.memory_space<hbm>> -> memref<2x128xi32, #tpu.memory_space<hbm>>
          tpu.wait_dma2 semaphore(%run_scoped3A : memref<!tpu.dma_semaphore, #tpu.memory_space<semaphore_mem>>) src(%dma_wait3A_378 : memref<2x128xi32, #tpu.memory_space<hbm>>) dst(%arg5 : memref<2x128xi32, #tpu.memory_space<vmem>>)
          tpu.yield
        }) : () -> ()
        %dma_start3A_355 = arith.constant 0 : i32
        %dma_start3A_356 = arith.constant 0 : i32
        %dma_start3A_357 = arith.constant 0 : i32
        %dma_start3A_358 = tpu.memref_slice %arg7[%dma_start3A_356, %dma_start3A_357] : memref<256x64xf32, #tpu.memory_space<vmem>> -> memref<128x64xf32, #tpu.memory_space<vmem>>
        %dma_start3A_359 = arith.constant 0 : i32
        %dma_start3A_360 = tpu.memref_slice %arg5[%dma_start3A_355, %dma_start3A_359] : memref<2x128xi32, #tpu.memory_space<vmem>> -> memref<1x128xi32, #tpu.memory_space<vmem>>
        %dma_start3A_361 = tpu.memref_squeeze %dma_start3A_360 : memref<1x128xi32, #tpu.memory_space<vmem>> -> memref<128xi32, #tpu.memory_space<vmem>>
        %dma_start3A_362 = arith.constant 0 : i32
        %dma_start3A_363 = arith.constant 0 : i32
        %dma_start3A_364 = tpu.memref_slice %arg3[%dma_start3A_362, %dma_start3A_363] : memref<1000000x64xf32, #tpu.memory_space<hbm>> -> memref<1000000x64xf32, #tpu.memory_space<hbm>>
        tpu.enqueue_indirect_dma source(%dma_start3A_364 : memref<1000000x64xf32, #tpu.memory_space<hbm>>) target(%dma_start3A_358 : memref<128x64xf32, #tpu.memory_space<vmem>>) offsets(%dma_start3A_361 : memref<128xi32, #tpu.memory_space<vmem>>) semaphore(%arg12 : memref<!tpu.dma_semaphore, #tpu.memory_space<semaphore_mem>>)
        %dma_start3A_365 = arith.constant 1 : i32
        %dma_start3A_366 = arith.constant 128 : i32
        %dma_start3A_367 = arith.constant 0 : i32
        %dma_start3A_368 = tpu.memref_slice %arg7[%dma_start3A_366, %dma_start3A_367] : memref<256x64xf32, #tpu.memory_space<vmem>> -> memref<128x64xf32, #tpu.memory_space<vmem>>
        %dma_start3A_369 = arith.constant 0 : i32
        %dma_start3A_370 = tpu.memref_slice %arg5[%dma_start3A_365, %dma_start3A_369] : memref<2x128xi32, #tpu.memory_space<vmem>> -> memref<1x128xi32, #tpu.memory_space<vmem>>
        %dma_start3A_371 = tpu.memref_squeeze %dma_start3A_370 : memref<1x128xi32, #tpu.memory_space<vmem>> -> memref<128xi32, #tpu.memory_space<vmem>>
        %dma_start3A_372 = arith.constant 0 : i32
        %dma_start3A_373 = arith.constant 0 : i32
        %dma_start3A_374 = tpu.memref_slice %arg3[%dma_start3A_372, %dma_start3A_373] : memref<1000000x64xf32, #tpu.memory_space<hbm>> -> memref<1000000x64xf32, #tpu.memory_space<hbm>>
        tpu.enqueue_indirect_dma source(%dma_start3A_374 : memref<1000000x64xf32, #tpu.memory_space<hbm>>) target(%dma_start3A_368 : memref<128x64xf32, #tpu.memory_space<vmem>>) offsets(%dma_start3A_371 : memref<128xi32, #tpu.memory_space<vmem>>) semaphore(%arg12 : memref<!tpu.dma_semaphore, #tpu.memory_space<semaphore_mem>>)
      } else {
      }
      %dma_wait3A_217 = arith.constant 0 : i32
      %dma_wait3A_218 = arith.constant 0 : i32
      %dma_wait3A_219 = tpu.memref_slice %arg8[%dma_wait3A_217, %dma_wait3A_218] : memref<256x64xf32, #tpu.memory_space<vmem>> -> memref<128x64xf32, #tpu.memory_space<vmem>>
      %dma_wait3A_220 = arith.constant 0 : i32
      %dma_wait3A_221 = arith.constant 0 : i32
      %dma_wait3A_222 = tpu.memref_slice %arg3[%dma_wait3A_220, %dma_wait3A_221] : memref<1000000x64xf32, #tpu.memory_space<hbm>> -> memref<128x64xf32, #tpu.memory_space<hbm>>
      %dma_wait3A_223 = arith.constant 0 : i32
      %dma_wait3A_224 = arith.constant 0 : i32
      %dma_wait3A_225 = tpu.memref_slice %arg8[%dma_wait3A_223, %dma_wait3A_224] : memref<256x64xf32, #tpu.memory_space<vmem>> -> memref<128x64xf32, #tpu.memory_space<vmem>>
      %dma_wait3A_226 = arith.constant 0 : i32
      %dma_wait3A_227 = arith.constant 0 : i32
      %dma_wait3A_228 = tpu.memref_slice %arg3[%dma_wait3A_226, %dma_wait3A_227] : memref<1000000x64xf32, #tpu.memory_space<hbm>> -> memref<128x64xf32, #tpu.memory_space<hbm>>
      tpu.wait_dma2 semaphore(%arg13 : memref<!tpu.dma_semaphore, #tpu.memory_space<semaphore_mem>>) src(%dma_wait3A_228 : memref<128x64xf32, #tpu.memory_space<hbm>>) dst(%dma_wait3A_225 : memref<128x64xf32, #tpu.memory_space<vmem>>)
      %dma_wait3A_229 = arith.constant 128 : i32
      %dma_wait3A_230 = arith.constant 0 : i32
      %dma_wait3A_231 = tpu.memref_slice %arg8[%dma_wait3A_229, %dma_wait3A_230] : memref<256x64xf32, #tpu.memory_space<vmem>> -> memref<128x64xf32, #tpu.memory_space<vmem>>
      %dma_wait3A_232 = arith.constant 0 : i32
      %dma_wait3A_233 = arith.constant 0 : i32
      %dma_wait3A_234 = tpu.memref_slice %arg3[%dma_wait3A_232, %dma_wait3A_233] : memref<1000000x64xf32, #tpu.memory_space<hbm>> -> memref<128x64xf32, #tpu.memory_space<hbm>>
      %dma_wait3A_235 = arith.constant 128 : i32
      %dma_wait3A_236 = arith.constant 0 : i32
      %dma_wait3A_237 = tpu.memref_slice %arg8[%dma_wait3A_235, %dma_wait3A_236] : memref<256x64xf32, #tpu.memory_space<vmem>> -> memref<128x64xf32, #tpu.memory_space<vmem>>
      %dma_wait3A_238 = arith.constant 0 : i32
      %dma_wait3A_239 = arith.constant 0 : i32
      %dma_wait3A_240 = tpu.memref_slice %arg3[%dma_wait3A_238, %dma_wait3A_239] : memref<1000000x64xf32, #tpu.memory_space<hbm>> -> memref<128x64xf32, #tpu.memory_space<hbm>>
      tpu.wait_dma2 semaphore(%arg13 : memref<!tpu.dma_semaphore, #tpu.memory_space<semaphore_mem>>) src(%dma_wait3A_240 : memref<128x64xf32, #tpu.memory_space<hbm>>) dst(%dma_wait3A_237 : memref<128x64xf32, #tpu.memory_space<vmem>>)
      %gt3A_241 = arith.constant 0 : i32
      %gt3A_242 = arith.cmpi sgt, %scan3A_64, %gt3A_241 : i32
      %convert_element_type3A_243 = arith.extui %gt3A_242 : i1 to i32
      %cond3A_244 = arith.constant 0 : i32
      %cond3A_245 = arith.cmpi ne, %convert_element_type3A_243, %cond3A_244 : i32
      scf.if %cond3A_245 {
        %dma_wait3A_308 = arith.constant 0 : i32
        %dma_wait3A_309 = arith.constant 0 : i32
        %dma_wait3A_310 = arith.constant 0 : i32
        %dma_wait3A_311 = arith.constant 0 : i32
        %dma_wait3A_312 = tpu.memref_slice %arg10[%dma_wait3A_310, %dma_wait3A_311] : memref<64x257xf32, #tpu.memory_space<vmem>> -> memref<64x256xf32, #tpu.memory_space<vmem>>
        %dma_wait3A_313 = arith.constant 0 : i32
        %dma_wait3A_314 = arith.constant 0 : i32
        %dma_wait3A_315 = tpu.memref_slice %arg4[%dma_wait3A_313, %dma_wait3A_308, %dma_wait3A_309, %dma_wait3A_314] : memref<64x25x32x1024xf32, #tpu.memory_space<hbm>> -> memref<64x1x1x256xf32, #tpu.memory_space<hbm>>
        %dma_wait3A_316 = tpu.memref_squeeze %dma_wait3A_315 : memref<64x1x1x256xf32, #tpu.memory_space<hbm>> -> memref<64x256xf32, #tpu.memory_space<hbm>>
        %dma_wait3A_317 = arith.constant 0 : i32
        %dma_wait3A_318 = arith.constant 0 : i32
        %dma_wait3A_319 = tpu.memref_slice %arg10[%dma_wait3A_317, %dma_wait3A_318] : memref<64x257xf32, #tpu.memory_space<vmem>> -> memref<64x256xf32, #tpu.memory_space<vmem>>
        %dma_wait3A_320 = arith.constant 0 : i32
        %dma_wait3A_321 = arith.constant 0 : i32
        %dma_wait3A_322 = tpu.memref_slice %arg4[%dma_wait3A_320, %dma_wait3A_308, %dma_wait3A_309, %dma_wait3A_321] : memref<64x25x32x1024xf32, #tpu.memory_space<hbm>> -> memref<64x1x1x256xf32, #tpu.memory_space<hbm>>
        %dma_wait3A_323 = tpu.memref_squeeze %dma_wait3A_322 : memref<64x1x1x256xf32, #tpu.memory_space<hbm>> -> memref<64x256xf32, #tpu.memory_space<hbm>>
        tpu.wait_dma2 semaphore(%arg15 : memref<!tpu.dma_semaphore, #tpu.memory_space<semaphore_mem>>) src(%dma_wait3A_323 : memref<64x256xf32, #tpu.memory_space<hbm>>) dst(%dma_wait3A_319 : memref<64x256xf32, #tpu.memory_space<vmem>>)
      } else {
      }
      %scan3A_246 = arith.constant 0 : i32
      %scan3A_247 = arith.constant 0 : i32
      %scan3A_248 = arith.constant 128 : i32
      %scan3A_249 = arith.addi %scan3A_247, %scan3A_248 : i32
      %scan3A_250 = arith.constant 1 : i32
      %scan3A_251 = scf.for %scan3A_308 = %scan3A_247 to %scan3A_249 step %scan3A_250 iter_args(%scan3A_309 = %scan3A_246) -> (i32)  : i32 {
        %mul3A_310 = arith.constant 8 : i32
        %mul3A_311 = arith.muli %mul3A_310, %scan3A_308 : i32
        %add3A_312 = arith.constant 0 : i32
        %add3A_313 = arith.addi %mul3A_311, %add3A_312 : i32
        %mul3A_314 = arith.constant 2 : i32
        %mul3A_315 = arith.muli %mul3A_314, %scan3A_308 : i32
        %add3A_316 = arith.constant 0 : i32
        %add3A_317 = arith.addi %mul3A_315, %add3A_316 : i32
        %get3A = arith.index_cast %add3A_317 : i32 to index
        %get3A_318 = arith.constant 0 : index
        %get3A_319 = tpu.vector_load %arg8[%get3A, %get3A_318] {strides = array<i32>} : memref<256x64xf32, #tpu.memory_space<vmem>>, vector<16xf32>,
        %mul3A_320 = arith.constant 16 : i32
        %mul3A_321 = arith.muli %mul3A_320, %add3A_313 : i32
        %get3A_322 = arith.index_cast %mul3A_321 : i32 to index
        %get3A_323 = tpu.vector_load %arg11[%get3A_322] {strides = array<i32>} : memref<16384xi32, #tpu.memory_space<vmem>>, vector<16xi32>,
        tpu.vector_store_idx %arg10[%mul3A_7, %get3A_323], %get3A_319 : memref<64x257xf32, #tpu.memory_space<vmem>>[vector<16xi32>, vector<16xi32>], vector<16xf32>,
        %mul3A_324 = arith.constant 8 : i32
        %mul3A_325 = arith.muli %mul3A_324, %scan3A_308 : i32
        %add3A_326 = arith.constant 1 : i32
        %add3A_327 = arith.addi %mul3A_325, %add3A_326 : i32
        %mul3A_328 = arith.constant 2 : i32
        %mul3A_329 = arith.muli %mul3A_328, %scan3A_308 : i32
        %add3A_330 = arith.constant 0 : i32
        %add3A_331 = arith.addi %mul3A_329, %add3A_330 : i32
        %get3A_332 = arith.index_cast %add3A_331 : i32 to index
        %get3A_333 = arith.constant 16 : index
        %get3A_334 = tpu.vector_load %arg8[%get3A_332, %get3A_333] {strides = array<i32>} : memref<256x64xf32, #tpu.memory_space<vmem>>, vector<16xf32>,
        %mul3A_335 = arith.constant 16 : i32
        %mul3A_336 = arith.muli %mul3A_335, %add3A_327 : i32
        %get3A_337 = arith.index_cast %mul3A_336 : i32 to index
        %get3A_338 = tpu.vector_load %arg11[%get3A_337] {strides = array<i32>} : memref<16384xi32, #tpu.memory_space<vmem>>, vector<16xi32>,
        tpu.vector_store_idx %arg10[%mul3A_7, %get3A_338], %get3A_334 : memref<64x257xf32, #tpu.memory_space<vmem>>[vector<16xi32>, vector<16xi32>], vector<16xf32>,
        %mul3A_339 = arith.constant 8 : i32
        %mul3A_340 = arith.muli %mul3A_339, %scan3A_308 : i32
        %add3A_341 = arith.constant 2 : i32
        %add3A_342 = arith.addi %mul3A_340, %add3A_341 : i32
        %mul3A_343 = arith.constant 2 : i32
        %mul3A_344 = arith.muli %mul3A_343, %scan3A_308 : i32
        %add3A_345 = arith.constant 0 : i32
        %add3A_346 = arith.addi %mul3A_344, %add3A_345 : i32
        %get3A_347 = arith.index_cast %add3A_346 : i32 to index
        %get3A_348 = arith.constant 32 : index
        %get3A_349 = tpu.vector_load %arg8[%get3A_347, %get3A_348] {strides = array<i32>} : memref<256x64xf32, #tpu.memory_space<vmem>>, vector<16xf32>,
        %mul3A_350 = arith.constant 16 : i32
        %mul3A_351 = arith.muli %mul3A_350, %add3A_342 : i32
        %get3A_352 = arith.index_cast %mul3A_351 : i32 to index
        %get3A_353 = tpu.vector_load %arg11[%get3A_352] {strides = array<i32>} : memref<16384xi32, #tpu.memory_space<vmem>>, vector<16xi32>,
        tpu.vector_store_idx %arg10[%mul3A_7, %get3A_353], %get3A_349 : memref<64x257xf32, #tpu.memory_space<vmem>>[vector<16xi32>, vector<16xi32>], vector<16xf32>,
        %mul3A_354 = arith.constant 8 : i32
        %mul3A_355 = arith.muli %mul3A_354, %scan3A_308 : i32
        %add3A_356 = arith.constant 3 : i32
        %add3A_357 = arith.addi %mul3A_355, %add3A_356 : i32
        %mul3A_358 = arith.constant 2 : i32
        %mul3A_359 = arith.muli %mul3A_358, %scan3A_308 : i32
        %add3A_360 = arith.constant 0 : i32
        %add3A_361 = arith.addi %mul3A_359, %add3A_360 : i32
        %get3A_362 = arith.index_cast %add3A_361 : i32 to index
        %get3A_363 = arith.constant 48 : index
        %get3A_364 = tpu.vector_load %arg8[%get3A_362, %get3A_363] {strides = array<i32>} : memref<256x64xf32, #tpu.memory_space<vmem>>, vector<16xf32>,
        %mul3A_365 = arith.constant 16 : i32
        %mul3A_366 = arith.muli %mul3A_365, %add3A_357 : i32
        %get3A_367 = arith.index_cast %mul3A_366 : i32 to index
        %get3A_368 = tpu.vector_load %arg11[%get3A_367] {strides = array<i32>} : memref<16384xi32, #tpu.memory_space<vmem>>, vector<16xi32>,
        tpu.vector_store_idx %arg10[%mul3A_7, %get3A_368], %get3A_364 : memref<64x257xf32, #tpu.memory_space<vmem>>[vector<16xi32>, vector<16xi32>], vector<16xf32>,
        %mul3A_369 = arith.constant 8 : i32
        %mul3A_370 = arith.muli %mul3A_369, %scan3A_308 : i32
        %add3A_371 = arith.constant 4 : i32
        %add3A_372 = arith.addi %mul3A_370, %add3A_371 : i32
        %mul3A_373 = arith.constant 2 : i32
        %mul3A_374 = arith.muli %mul3A_373, %scan3A_308 : i32
        %add3A_375 = arith.constant 1 : i32
        %add3A_376 = arith.addi %mul3A_374, %add3A_375 : i32
        %get3A_377 = arith.index_cast %add3A_376 : i32 to index
        %get3A_378 = arith.constant 0 : index
        %get3A_379 = tpu.vector_load %arg8[%get3A_377, %get3A_378] {strides = array<i32>} : memref<256x64xf32, #tpu.memory_space<vmem>>, vector<16xf32>,
        %mul3A_380 = arith.constant 16 : i32
        %mul3A_381 = arith.muli %mul3A_380, %add3A_372 : i32
        %get3A_382 = arith.index_cast %mul3A_381 : i32 to index
        %get3A_383 = tpu.vector_load %arg11[%get3A_382] {strides = array<i32>} : memref<16384xi32, #tpu.memory_space<vmem>>, vector<16xi32>,
        tpu.vector_store_idx %arg10[%mul3A_7, %get3A_383], %get3A_379 : memref<64x257xf32, #tpu.memory_space<vmem>>[vector<16xi32>, vector<16xi32>], vector<16xf32>,
        %mul3A_384 = arith.constant 8 : i32
        %mul3A_385 = arith.muli %mul3A_384, %scan3A_308 : i32
        %add3A_386 = arith.constant 5 : i32
        %add3A_387 = arith.addi %mul3A_385, %add3A_386 : i32
        %mul3A_388 = arith.constant 2 : i32
        %mul3A_389 = arith.muli %mul3A_388, %scan3A_308 : i32
        %add3A_390 = arith.constant 1 : i32
        %add3A_391 = arith.addi %mul3A_389, %add3A_390 : i32
        %get3A_392 = arith.index_cast %add3A_391 : i32 to index
        %get3A_393 = arith.constant 16 : index
        %get3A_394 = tpu.vector_load %arg8[%get3A_392, %get3A_393] {strides = array<i32>} : memref<256x64xf32, #tpu.memory_space<vmem>>, vector<16xf32>,
        %mul3A_395 = arith.constant 16 : i32
        %mul3A_396 = arith.muli %mul3A_395, %add3A_387 : i32
        %get3A_397 = arith.index_cast %mul3A_396 : i32 to index
        %get3A_398 = tpu.vector_load %arg11[%get3A_397] {strides = array<i32>} : memref<16384xi32, #tpu.memory_space<vmem>>, vector<16xi32>,
        tpu.vector_store_idx %arg10[%mul3A_7, %get3A_398], %get3A_394 : memref<64x257xf32, #tpu.memory_space<vmem>>[vector<16xi32>, vector<16xi32>], vector<16xf32>,
        %mul3A_399 = arith.constant 8 : i32
        %mul3A_400 = arith.muli %mul3A_399, %scan3A_308 : i32
        %add3A_401 = arith.constant 6 : i32
        %add3A_402 = arith.addi %mul3A_400, %add3A_401 : i32
        %mul3A_403 = arith.constant 2 : i32
        %mul3A_404 = arith.muli %mul3A_403, %scan3A_308 : i32
        %add3A_405 = arith.constant 1 : i32
        %add3A_406 = arith.addi %mul3A_404, %add3A_405 : i32
        %get3A_407 = arith.index_cast %add3A_406 : i32 to index
        %get3A_408 = arith.constant 32 : index
        %get3A_409 = tpu.vector_load %arg8[%get3A_407, %get3A_408] {strides = array<i32>} : memref<256x64xf32, #tpu.memory_space<vmem>>, vector<16xf32>,
        %mul3A_410 = arith.constant 16 : i32
        %mul3A_411 = arith.muli %mul3A_410, %add3A_402 : i32
        %get3A_412 = arith.index_cast %mul3A_411 : i32 to index
        %get3A_413 = tpu.vector_load %arg11[%get3A_412] {strides = array<i32>} : memref<16384xi32, #tpu.memory_space<vmem>>, vector<16xi32>,
        tpu.vector_store_idx %arg10[%mul3A_7, %get3A_413], %get3A_409 : memref<64x257xf32, #tpu.memory_space<vmem>>[vector<16xi32>, vector<16xi32>], vector<16xf32>,
        %mul3A_414 = arith.constant 8 : i32
        %mul3A_415 = arith.muli %mul3A_414, %scan3A_308 : i32
        %add3A_416 = arith.constant 7 : i32
        %add3A_417 = arith.addi %mul3A_415, %add3A_416 : i32
        %mul3A_418 = arith.constant 2 : i32
        %mul3A_419 = arith.muli %mul3A_418, %scan3A_308 : i32
        %add3A_420 = arith.constant 1 : i32
        %add3A_421 = arith.addi %mul3A_419, %add3A_420 : i32
        %get3A_422 = arith.index_cast %add3A_421 : i32 to index
        %get3A_423 = arith.constant 48 : index
        %get3A_424 = tpu.vector_load %arg8[%get3A_422, %get3A_423] {strides = array<i32>} : memref<256x64xf32, #tpu.memory_space<vmem>>, vector<16xf32>,
        %mul3A_425 = arith.constant 16 : i32
        %mul3A_426 = arith.muli %mul3A_425, %add3A_417 : i32
        %get3A_427 = arith.index_cast %mul3A_426 : i32 to index
        %get3A_428 = tpu.vector_load %arg11[%get3A_427] {strides = array<i32>} : memref<16384xi32, #tpu.memory_space<vmem>>, vector<16xi32>,
        tpu.vector_store_idx %arg10[%mul3A_7, %get3A_428], %get3A_424 : memref<64x257xf32, #tpu.memory_space<vmem>>[vector<16xi32>, vector<16xi32>], vector<16xf32>,
        %scan3A_429 = arith.constant 0 : i32
        scf.yield %scan3A_429 : i32
      }
      %scan3A_252 = arith.constant 128 : i32
      %jit3A_253 = arith.constant 4 : i32
      %div3A_254 = arith.divsi %add3A_69, %jit3A_253 : i32
      %sign3A_255 = arith.constant 0 : i32
      %sign3A_256 = arith.cmpi sgt, %add3A_69, %sign3A_255 : i32
      %sign3A_257 = arith.extui %sign3A_256 : i1 to i32
      %sign3A_258 = arith.constant 0 : i32
      %sign3A_259 = arith.cmpi slt, %add3A_69, %sign3A_258 : i32
      %sign3A_260 = arith.extui %sign3A_259 : i1 to i32
      %sign3A_261 = arith.subi %sign3A_257, %sign3A_260 : i32
      %sign3A_262 = arith.constant 0 : i32
      %sign3A_263 = arith.cmpi sgt, %jit3A_253, %sign3A_262 : i32
      %sign3A_264 = arith.extui %sign3A_263 : i1 to i32
      %sign3A_265 = arith.constant 0 : i32
      %sign3A_266 = arith.cmpi slt, %jit3A_253, %sign3A_265 : i32
      %sign3A_267 = arith.extui %sign3A_266 : i1 to i32
      %sign3A_268 = arith.subi %sign3A_264, %sign3A_267 : i32
      %ne3A_269 = arith.cmpi ne, %sign3A_261, %sign3A_268 : i32
      %rem3A_270 = arith.remsi %add3A_69, %jit3A_253 : i32
      %ne3A_271 = arith.constant 0 : i32
      %ne3A_272 = arith.cmpi ne, %rem3A_270, %ne3A_271 : i32
      %and3A_273 = arith.andi %ne3A_269, %ne3A_272 : i1
      %sub3A_274 = arith.constant 1 : i32
      %sub3A_275 = arith.subi %div3A_254, %sub3A_274 : i32
      %select_n3A_276 = arith.select %and3A_273, %sub3A_275, %div3A_254 : i32
      %jit3A_277 = arith.constant 4 : i32
      %eq3A_278 = arith.constant 0 : i32
      %eq3A_279 = arith.cmpi eq, %jit3A_277, %eq3A_278 : i32
      %jit3A_280 = arith.constant 1 : i32
      %select_n3A_281 = arith.select %eq3A_279, %jit3A_280, %jit3A_277 : i32
      %rem3A_282 = arith.remsi %add3A_69, %select_n3A_281 : i32
      %ne3A_283 = arith.constant 0 : i32
      %ne3A_284 = arith.cmpi ne, %rem3A_282, %ne3A_283 : i32
      %lt3A_285 = arith.constant 0 : i32
      %lt3A_286 = arith.cmpi slt, %rem3A_282, %lt3A_285 : i32
      %lt3A_287 = arith.constant 0 : i32
      %lt3A_288 = arith.cmpi slt, %select_n3A_281, %lt3A_287 : i32
      %ne3A_289 = arith.xori %lt3A_286, %lt3A_288 : i1
      %and3A_290 = arith.andi %ne3A_289, %ne3A_284 : i1
      %add3A_291 = arith.addi %rem3A_282, %select_n3A_281 : i32
      %select_n3A_292 = arith.select %and3A_290, %add3A_291, %rem3A_282 : i32
      %mul3A_293 = arith.constant 256 : i32
      %mul3A_294 = arith.muli %select_n3A_292, %mul3A_293 : i32
      %dma_start3A_295 = arith.constant 0 : i32
      %dma_start3A_296 = arith.constant 0 : i32
      %dma_start3A_297 = tpu.memref_slice %arg10[%dma_start3A_295, %dma_start3A_296] : memref<64x257xf32, #tpu.memory_space<vmem>> -> memref<64x256xf32, #tpu.memory_space<vmem>>
      %dma_start3A_298 = arith.constant 0 : i32
      %dma_start3A_299 = tpu.memref_slice %arg4[%dma_start3A_298, %select_n3A_276, %add3A, %mul3A_294] : memref<64x25x32x1024xf32, #tpu.memory_space<hbm>> -> memref<64x1x1x256xf32, #tpu.memory_space<hbm>>
      %dma_start3A_300 = tpu.memref_squeeze %dma_start3A_299 : memref<64x1x1x256xf32, #tpu.memory_space<hbm>> -> memref<64x256xf32, #tpu.memory_space<hbm>>
      %dma_start3A_301 = arith.constant 0 : i32
      %dma_start3A_302 = tpu.memref_slice %arg4[%dma_start3A_301, %select_n3A_276, %add3A, %mul3A_294] : memref<64x25x32x1024xf32, #tpu.memory_space<hbm>> -> memref<64x1x1x256xf32, #tpu.memory_space<hbm>>
      %dma_start3A_303 = tpu.memref_squeeze %dma_start3A_302 : memref<64x1x1x256xf32, #tpu.memory_space<hbm>> -> memref<64x256xf32, #tpu.memory_space<hbm>>
      %dma_start3A_304 = arith.constant 0 : i32
      %dma_start3A_305 = arith.constant 0 : i32
      %dma_start3A_306 = tpu.memref_slice %arg10[%dma_start3A_304, %dma_start3A_305] : memref<64x257xf32, #tpu.memory_space<vmem>> -> memref<64x256xf32, #tpu.memory_space<vmem>>
      tpu.enqueue_dma source(%dma_start3A_306 : memref<64x256xf32, #tpu.memory_space<vmem>>) target(%dma_start3A_303 : memref<64x256xf32, #tpu.memory_space<hbm>>) target_semaphore(%arg15 : memref<!tpu.dma_semaphore, #tpu.memory_space<semaphore_mem>>)
      %scan3A_307 = arith.constant 0 : i32
      scf.yield %scan3A_307 : i32
    }
    %scan3A_32 = arith.constant 50 : i32
    %dma_wait3A = arith.constant 0 : i32
    %dma_wait3A_33 = arith.constant 0 : i32
    %dma_wait3A_34 = arith.constant 0 : i32
    %dma_wait3A_35 = arith.constant 0 : i32
    %dma_wait3A_36 = tpu.memref_slice %arg9[%dma_wait3A_34, %dma_wait3A_35] : memref<64x257xf32, #tpu.memory_space<vmem>> -> memref<64x256xf32, #tpu.memory_space<vmem>>
    %dma_wait3A_37 = arith.constant 0 : i32
    %dma_wait3A_38 = arith.constant 0 : i32
    %dma_wait3A_39 = tpu.memref_slice %arg4[%dma_wait3A_37, %dma_wait3A, %dma_wait3A_33, %dma_wait3A_38] : memref<64x25x32x1024xf32, #tpu.memory_space<hbm>> -> memref<64x1x1x256xf32, #tpu.memory_space<hbm>>
    %dma_wait3A_40 = tpu.memref_squeeze %dma_wait3A_39 : memref<64x1x1x256xf32, #tpu.memory_space<hbm>> -> memref<64x256xf32, #tpu.memory_space<hbm>>
    %dma_wait3A_41 = arith.constant 0 : i32
    %dma_wait3A_42 = arith.constant 0 : i32
    %dma_wait3A_43 = tpu.memref_slice %arg9[%dma_wait3A_41, %dma_wait3A_42] : memref<64x257xf32, #tpu.memory_space<vmem>> -> memref<64x256xf32, #tpu.memory_space<vmem>>
    %dma_wait3A_44 = arith.constant 0 : i32
    %dma_wait3A_45 = arith.constant 0 : i32
    %dma_wait3A_46 = tpu.memref_slice %arg4[%dma_wait3A_44, %dma_wait3A, %dma_wait3A_33, %dma_wait3A_45] : memref<64x25x32x1024xf32, #tpu.memory_space<hbm>> -> memref<64x1x1x256xf32, #tpu.memory_space<hbm>>
    %dma_wait3A_47 = tpu.memref_squeeze %dma_wait3A_46 : memref<64x1x1x256xf32, #tpu.memory_space<hbm>> -> memref<64x256xf32, #tpu.memory_space<hbm>>
    tpu.wait_dma2 semaphore(%arg14 : memref<!tpu.dma_semaphore, #tpu.memory_space<semaphore_mem>>) src(%dma_wait3A_47 : memref<64x256xf32, #tpu.memory_space<hbm>>) dst(%dma_wait3A_43 : memref<64x256xf32, #tpu.memory_space<vmem>>)
    %dma_wait3A_48 = arith.constant 0 : i32
    %dma_wait3A_49 = arith.constant 0 : i32
    %dma_wait3A_50 = arith.constant 0 : i32
    %dma_wait3A_51 = arith.constant 0 : i32
    %dma_wait3A_52 = tpu.memref_slice %arg10[%dma_wait3A_50, %dma_wait3A_51] : memref<64x257xf32, #tpu.memory_space<vmem>> -> memref<64x256xf32, #tpu.memory_space<vmem>>
    %dma_wait3A_53 = arith.constant 0 : i32
    %dma_wait3A_54 = arith.constant 0 : i32
    %dma_wait3A_55 = tpu.memref_slice %arg4[%dma_wait3A_53, %dma_wait3A_48, %dma_wait3A_49, %dma_wait3A_54] : memref<64x25x32x1024xf32, #tpu.memory_space<hbm>> -> memref<64x1x1x256xf32, #tpu.memory_space<hbm>>
    %dma_wait3A_56 = tpu.memref_squeeze %dma_wait3A_55 : memref<64x1x1x256xf32, #tpu.memory_space<hbm>> -> memref<64x256xf32, #tpu.memory_space<hbm>>
    %dma_wait3A_57 = arith.constant 0 : i32
    %dma_wait3A_58 = arith.constant 0 : i32
    %dma_wait3A_59 = tpu.memref_slice %arg10[%dma_wait3A_57, %dma_wait3A_58] : memref<64x257xf32, #tpu.memory_space<vmem>> -> memref<64x256xf32, #tpu.memory_space<vmem>>
    %dma_wait3A_60 = arith.constant 0 : i32
    %dma_wait3A_61 = arith.constant 0 : i32
    %dma_wait3A_62 = tpu.memref_slice %arg4[%dma_wait3A_60, %dma_wait3A_48, %dma_wait3A_49, %dma_wait3A_61] : memref<64x25x32x1024xf32, #tpu.memory_space<hbm>> -> memref<64x1x1x256xf32, #tpu.memory_space<hbm>>
    %dma_wait3A_63 = tpu.memref_squeeze %dma_wait3A_62 : memref<64x1x1x256xf32, #tpu.memory_space<hbm>> -> memref<64x256xf32, #tpu.memory_space<hbm>>
    tpu.wait_dma2 semaphore(%arg15 : memref<!tpu.dma_semaphore, #tpu.memory_space<semaphore_mem>>) src(%dma_wait3A_63 : memref<64x256xf32, #tpu.memory_space<hbm>>) dst(%dma_wait3A_59 : memref<64x256xf32, #tpu.memory_space<vmem>>)
    return
  }
}

module attributes {stable_mosaic.version = 14 : i64} {
  func.func @_fmt_body(%arg0: i32, %arg1: memref<64x8192xf32, #tpu.memory_space<vmem>>, %arg2: memref<4096x128xf32, #tpu.memory_space<vmem>>) attributes {dimension_semantics = [#tpu.dimension_semantics<arbitrary>], iteration_bounds = array<i64: 123>, scalar_prefetch = 0 : i64, scratch_operands = 0 : i64, tpu.core_type = #tpu.core_type<tc>, window_params = [{transform_indices = @transform_0, window_bounds = array<i64: 64, 8192>}, {transform_indices = @transform_1, window_bounds = array<i64: 4096, 128>}]} {
    %get3A = arith.constant 0 : index
    %get3A_0 = arith.constant 0 : index
    %get3A_1 = vector.load %arg1[%get3A, %get3A_0] : memref<64x8192xf32, #tpu.memory_space<vmem>>, vector<64x8192xf32>
    %transpose3A = tpu.transpose %get3A_1, [1, 0] : vector<64x8192xf32> -> vector<8192x64xf32>
    %reshape3A = vector.shape_cast %transpose3A : vector<8192x64xf32> to vector<4096x2x64xf32>
    %slice3A = vector.extract_strided_slice %reshape3A {offsets = [0, 0, 0], sizes = [4096, 1, 64], strides = [1, 1, 1]} : vector<4096x2x64xf32> to vector<4096x1x64xf32>
    %squeeze3A = vector.shape_cast %slice3A : vector<4096x1x64xf32> to vector<4096x64xf32>
    %slice3A_2 = vector.extract_strided_slice %reshape3A {offsets = [0, 1, 0], sizes = [4096, 1, 64], strides = [1, 1, 1]} : vector<4096x2x64xf32> to vector<4096x1x64xf32>
    %squeeze3A_3 = vector.shape_cast %slice3A_2 : vector<4096x1x64xf32> to vector<4096x64xf32>
    %concatenate3A = tpu.concatenate %squeeze3A, %squeeze3A_3 in 1 : vector<4096x64xf32>, vector<4096x64xf32> -> vector<4096x128xf32>
    %swap3A = arith.constant 0 : index
    %swap3A_4 = arith.constant 0 : index
    %swap3A_5 = vector.load %arg2[%swap3A, %swap3A_4] : memref<4096x128xf32, #tpu.memory_space<vmem>>, vector<4096x128xf32>
    tpu.vector_store %arg2[%swap3A, %swap3A_4], %concatenate3A {strides = array<i32>} : memref<4096x128xf32, #tpu.memory_space<vmem>>, vector<4096x128xf32>,
    return
  }
  func.func @transform_0(%arg0: i32) -> (i32, i32) {
    %c0_i32 = arith.constant 0 : i32
    %c0_i32_0 = arith.constant 0 : i32
    return %c0_i32, %arg0 : i32, i32
  }
  func.func @transform_1(%arg0: i32) -> (i32, i32) {
    %c0_i32 = arith.constant 0 : i32
    %c0_i32_0 = arith.constant 0 : i32
    return %arg0, %c0_i32 : i32, i32
  }
}

</mosaic_0001>

<sc_bundles>
// kernel: kernel.4.cloned.1.call-start
scs
__scs_entry_jumppad:
0x0: {  	(pc) =	sbr.rel $0x88, $3  }
0x1: {  	(tag) =	ssettag $0x0;
	lr =	simm.s32 $0x1  }
0x2: {  	[smem:$0x3F9F] =	sst lr;
	_ =	strace $0xD0000000  }
0x3: {  	_ = 	snop  }
0x4: {  	_ = 	snop  }
0x5: {  	_ = 	snop  }
0x6: {  	_ = 	snop  }
0x7: {  	_ = 	snop  }
__scs_overlays_trampoline_lowered:
0x8: {  	[smem:$0x3FAE] =	sst s0  }
0x9: {  	[smem:$0x3FAF] =	sst s1  }
0xa: {  	[smem:$0x3FB0] =	sst s2  }
0xb: {  	[smem:$0x3FB1] =	sst s3  }
0xc: {  	[smem:$0x3FB2] =	sst s4  }
0xd: {  	[smem:$0x3FB3] =	sst s5  }
0xe: {  	[smem:$0x3FB4] =	sst s6  }
0xf: {  	[smem:$0x3FB5] =	sst s7  }
0x10: {  	[smem:$0x3FB6] =	sst s8  }
0x11: {  	[smem:$0x3FB7] =	sst s9;
	s0 =	simm.s32 @!p0 $0x0  }
0x12: {  	s1 =	sld [smem:$0x3F9D];
	s0 =	simm.s32 @p0 $0x1  }
0x13: {  	[smem:$0x3FB8] =	sst s0;
	s0 =	simm.s32 @!p1 $0x0  }
0x14: {  	s2 =	sld [smem:$0x3F9C];
	s0 =	simm.s32 @p1 $0x1  }
0x15: {  	[smem:$0x3FB9] =	sst s0;
	s0 =	simm.s32 @!p2 $0x0  }
0x16: {  	s3 =	sld [smem:$0x3FDB];
	s0 =	simm.s32 @p2 $0x1  }
0x17: {  	s4 =	simm.s32 $0x1BF5;
	[smem:$0x3FBB] =	sst s0  }
0x18: {  	s0 =	sld [smem:$0x3F9E];
	_ =	swait.ge [sflag:s4], $0x0  }
0x19: {  	s7 =	sld [smem:$0x3F9F]  }
0x1a: {  	s8 =	sadd.s32 $0xFFFFE003, lr  }
0x1b: {  	s9 =	sadd.s32 $0xFFFFFEF7, lr;
	s5 =	simm.s32 $0xFFFFFFFF;
	p2 =	slt.u32 s8, $0xFFFFF086  }
0x1c: {  	p1 =	slt.u32 s9, $0xF7A;
	s5 =	simm.s32 @!p2 $0x0  }
0x1d: {  	s5 =	simm.s32 @p1 $0x1;
	p0 =	seq.s32 s7, s2  }
0x1e: {  	s7 =	smul.u32 @!p0 $0xF7A, s2;
	p2 =	seq.s32 @!p0 s5, $0x0  }
0x1f: {  	s9 =	smul.u32 $0xF7A, s1;
	s8 =	simm.s32 @!p0 $0x1BF5;
	p2 =	por !p2, p0  }
0x20: {  	[sflag:s8] =	ssyncset.s32 @!p0 $0xFFFFF086;
	s6 =	sadd.s32 @!p0 s3, s7;
	s7 =	simm.s32 @!p0 $0x108  }
0x21: {  	s3 =	sadd.s32 s3, s9;
	s6 =	sadd.s32 @!p0 $0x88, s6;
	s7 =	simm.s32 @p2 $0x1082  }
0x22: {  	[simem:s7], [sflag:s8] =	dma.local @!p0 [hbm:s6], $0xF7A  }
0x23: {  	s9 =	sor.u32 $0xD0000000, s2;
	s6 =	simm.s32 $0x108;
	_ =	swait.ge @!p0 [sflag:s8], $0x0  }
0x24: {  	s3 =	sadd.s32 $0x88, s3;
	s6 =	simm.s32 @!p1 $0x1082;
	[sflag:s4] =	ssyncset.s32 $0xFFFFF086  }
0x25: {  	[simem:s6], [sflag:s4] =	dma.local [hbm:s3], $0xF7A  }
0x26: {  	[smem:$0x3F9F] =	sst s1;
	(tag) =	ssettag s2;
	_ =	strace s9  }
0x27: {  	s1 =	sld [smem:$0x3FAF]  }
0x28: {  	s2 =	sld [smem:$0x3FB0]  }
0x29: {  	s4 =	sld [smem:$0x3FB2]  }
0x2a: {  	p0 =	seq.s32 s5, $0x0;
	s5 =	sld [smem:$0x3FB3]  }
0x2b: {  	s6 =	sld [smem:$0x3FB4]  }
0x2c: {  	s7 =	sld [smem:$0x3FB5]  }
0x2d: {  	s3 =	simm.s32 $0x108;
	s8 =	sld [smem:$0x3FB6]  }
0x2e: {  	s3 =	simm.s32 @!p0 $0x1082;
	s9 =	sld [smem:$0x3FB7]  }
0x2f: {  	lr =	sadd.s32 s0, s3;
	s0 =	sld [smem:$0x3FAE]  }
0x30: {  	s3 =	sld [smem:$0x3FB1]  }
0x31: {  	[smem:$0x3FBA] =	sst s10  }
0x32: {  	s10 =	sld [smem:$0x3FB8];
	_ =	sdelay $0x3  }
0x33: {  	p0 =	seq.s32 s10, $0x1;
	s10 =	sld [smem:$0x3FBA];
	_ =	sdelay $0x3  }
0x34: {  	[smem:$0x3FBA] =	sst s10  }
0x35: {  	s10 =	sld [smem:$0x3FB9];
	_ =	sdelay $0x3  }
0x36: {  	p1 =	seq.s32 s10, $0x1;
	s10 =	sld [smem:$0x3FBA];
	_ =	sdelay $0x3  }
0x37: {  	[smem:$0x3FBA] =	sst s10  }
0x38: {  	s10 =	sld [smem:$0x3FBB]  }
0x39: {  	_ = 	snop;
	(pc) =	sbr.ind lr, $3  }
0x3a: {  	_ = 	snop  }
0x3b: {  	_ = 	snop  }
0x3c: {  	p2 =	seq.s32 s10, $0x1;
	s10 =	sld [smem:$0x3FBA]  }
0x3d: {  	_ =	shalt  }
0x3e: {  	_ =	shalt  }
0x3f: {  	_ =	shalt  }
0x40: {  	_ =	shalt  }
0x41: {  	_ =	shalt  }
0x42: {  	_ =	shalt  }
0x43: {  	_ =	shalt  }
0x44: {  	_ =	shalt  }
0x45: {  	_ =	shalt  }
0x46: {  	_ =	shalt  }
0x47: {  	_ =	shalt  }
0x48: {  	_ =	shalt  }
0x49: {  	_ =	shalt  }
0x4a: {  	_ =	shalt  }
0x4b: {  	_ =	shalt  }
0x4c: {  	_ =	shalt  }
0x4d: {  	_ =	shalt  }
0x4e: {  	_ =	shalt  }
0x4f: {  	_ =	shalt  }
0x50: {  	_ =	shalt  }
0x51: {  	_ =	shalt  }
0x52: {  	_ =	shalt  }
0x53: {  	_ =	shalt  }
0x54: {  	_ =	shalt  }
0x55: {  	_ =	shalt  }
0x56: {  	_ =	shalt  }
0x57: {  	_ =	shalt  }
0x58: {  	_ =	shalt  }
0x59: {  	_ =	shalt  }
0x5a: {  	_ =	shalt  }
0x5b: {  	_ =	shalt  }
0x5c: {  	_ =	shalt  }
0x5d: {  	_ =	shalt  }
0x5e: {  	_ =	shalt  }
0x5f: {  	_ =	shalt  }
0x60: {  	_ =	shalt  }
0x61: {  	_ =	shalt  }
0x62: {  	_ =	shalt  }
0x63: {  	_ =	shalt  }
0x64: {  	_ =	shalt  }
0x65: {  	_ =	shalt  }
0x66: {  	_ =	shalt  }
0x67: {  	_ =	shalt  }
0x68: {  	_ =	shalt  }
0x69: {  	_ =	shalt  }
0x6a: {  	_ =	shalt  }
0x6b: {  	_ =	shalt  }
0x6c: {  	_ =	shalt  }
0x6d: {  	_ =	shalt  }
0x6e: {  	_ =	shalt  }
0x6f: {  	_ =	shalt  }
0x70: {  	_ =	shalt  }
0x71: {  	_ =	shalt  }
0x72: {  	_ =	shalt  }
0x73: {  	_ =	shalt  }
0x74: {  	_ =	shalt  }
0x75: {  	_ =	shalt  }
0x76: {  	_ =	shalt  }
0x77: {  	_ =	shalt  }
0x78: {  	_ =	shalt  }
0x79: {  	_ =	shalt  }
0x7a: {  	_ =	shalt  }
0x7b: {  	_ =	shalt  }
0x7c: {  	_ =	shalt  }
0x7d: {  	_ =	shalt  }
0x7e: {  	_ =	shalt  }
0x7f: {  	_ =	shalt  }
0x80: {  	_ =	shalt  }
0x81: {  	_ =	shalt  }
0x82: {  	_ =	shalt  }
0x83: {  	_ =	shalt  }
0x84: {  	_ =	shalt  }
0x85: {  	_ =	shalt  }
0x86: {  	_ =	shalt  }
0x87: {  	_ =	shalt  }
.Lfunc_end0:
.L_simem_size_0:
called_computation_lowered:
.L_overlay_start_0:
0x88: {  	s2 =	sld [smem:$0x3FD9]  }
0x89: {  	s3 =	sld [smem:$0x3FFE];
	_ =	sdelay $0x1  }
0x8a: {  	s1 =	srdreg.scid  }
0x8b: {  	s0 =	sand.u32 $0x1, s1  }
0x8c: {  	s17 =	sshll.u32 s0, $0xA;
	s2 =	sadd.s32 s3, s2  }
0x8d: {  	s2 =	sadd.s32 s2, s17  }
0x8e: {  	[smem:$0x3FC6] =	sst s2  }
0x8f: {  	_ = 	snop  }
0x90: {  	s2 =	sld [smem:$0x3FD0];
	(tm) =	ssettm $0x1  }
0x91: {  	s18 =	sld [smem:$0x3FFB];
	_ =	sdelay $0x3  }
0x92: {  	_ =	strace s18  }
0x93: {  	s3 =	sld [smem:$0x3FFC];
	_ =	sdelay $0x3  }
0x94: {  	_ =	strace s3  }
0x95: {  	s3 =	sld [smem:$0x3FFD];
	_ =	sdelay $0x3  }
0x96: {  	_ =	strace s3  }
0x97: {  	_ =	strace $0x8FFFFFFF  }
0x98: {  	s19 =	sld [smem:$0x3FDB];
	_ =	sdelay $0x1  }
0x99: {  	s4 =	simm.s32 $_scs_section_size  }
0x9a: {  	s5 =	simm.s32 $_size__tile_overlayer_lowered;
	s6 =	simm.s32 $_tile_overlayer_lowered  }
0x9b: {  	s22 =	simm.s32 $0x1BFF;
	s21 =	sshll.u32 s6, $0x1;
	s3 =	sadd.s32 s4, s19  }
0x9c: {  	s7 =	simm.s32 $0x0;
	s20 =	sshll.u32 s5, $0x1;
	s5 =	sadd.s32 s21, s3  }
0x9d: {  	[timem:s7], [sflag:s22] =	dma.local [hbm:s5], s20  }
0x9e: {  	_ =	swait.ge [sflag:s22], s20  }
0x9f: {  	s4 =	ssub.s32 $0x0, s20;
	[sflag:s22] =	ssyncset.done $0x0  }
0xa0: {  	[sflag:s22] =	ssyncadd.s32 s4;
	_ =	sdelay $0x1  }
0xa1: {  	s23 =	simm.s32 $0x1B8B  }
0xa2: {  	_ =	swait.ge [sflag:s23], $0x1  }
0xa3: {  	[sflag:s23] =	ssyncset.done $0x0  }
0xa4: {  	s25 =	simm.s32 $0x1B8E;
	s24 =	sld [smem:$0x3FFE];
	[sflag:s23] =	ssyncadd.s32 $0xFFFFFFFF  }
0xa5: {  	s26 =	simm.s32 $execute0_lowered;
	[smem:$0x3FD2] =	sst s25  }
0xa6: {  	s5 =	sshll.u32 s26, $0x1;
	_ =	strace $0x80000046;
	[dreg:$0x1] =	wrdreg $0xFFFFFFFF  }
0xa7: {  	s28 =	simm.s32 $_size_execute0_lowered;
	s3 =	sadd.s32 s3, s5;
	[dreg:$0x0] =	wrdreg $0x0  }
0xa8: {  	s5 =	sshll.u32 s28, $0x1;
	[dreg:$0x2] =	wrdreg s3  }
0xa9: {  	[dreg:$0x3] =	wrdreg s5  }
0xaa: {  	[dreg:$0x4] =	wrdreg $0xC0  }
0xab: {  	_ =	task [dreg:s7], $0x5FFFF  }
0xac: {  	[dreg:$0x1] =	wrdreg $0xFFFFFFFF  }
0xad: {  	[dreg:$0x0] =	wrdreg $0x60  }
0xae: {  	[dreg:$0x2] =	wrdreg s24  }
0xaf: {  	[dreg:$0x3] =	wrdreg s2  }
0xb0: {  	[dreg:$0x4] =	wrdreg $0x9  }
0xb1: {  	_ =	task.clear_ibuf [dreg:s7], $0x5FFFF;
	_ =	strace $0x90000046  }
0xb2: {  	s29 =	simm.s32 $0x9;
	_ =	strace $0x80000048  }
0xb3: {  	_ =	swait.ge [sflag:s29], $0x1  }
0xb4: {  	[sflag:s29] =	ssyncadd.s32 $0xFFFFFFFF  }
0xb5: {  	_ =	strace $0x90000048  }
0xb6: {  	_ =	sfence  }
0xb7: {  	s30 =	sld [smem:$0x0];
	_ =	sdelay $0x2  }
0xb8: {  	s31 =	sshll.u32 s1, $0xD;
	s1 =	sshrl.u32 s1, $0x2  }
0xb9: {  	s3 =	sand.u32 $0x4000, s31;
	s1 =	sadd.s32 s1, s30  }
0xba: {  	s0 =	sor.u32 s3, s0;
	s1 =	sshll.u32 s1, $0x11  }
0xbb: {  	s0 =	sor.u32 s1, s0  }
0xbc: {  	s0 =	sadd.s32 $0x8F2B, s0  }
0xbd: {  	[sflag:s0] =	ssyncadd.remote.s32 $0x1  }
0xbe: {  	_ =	sfence.sel $0xFFFF  }
0xbf: {  	[dreg:$0x0] =	wrdreg $0xFFFFFFFF;
	(pc) =	sbr.abs _section_cstart, $3  }
0xc0: {  	[dreg:$0x1] =	wrdreg $0xFFFFFFFF  }
0xc1: {  	_ =	task.clear_ibuf [dreg:s7], $0x2FFFF;
	_ =	strace $0x9FFFFFFF  }
0xc2: {  	(tm) =	ssettm $0x7FFFFFFF  }
0xc3: {  	_ =	shalt  }
tec
execute0_lowered:
.L_overlay_start_1:
0x0: {  	(tag) =	ssettag $0x1  }
0x1: {  	s0 =	rddreg [dreg:$0x0]  }
0x2: {  	s1 =	rddreg [dreg:$0x1];
	s3 =	simm.s32 $0x0  }
0x3: {  	s2 =	srdreg.scid;
	s5 =	stileid.u32;
	s11 =	simm.s32 $0x80  }
0x4: {  	s12 =	simm.s32 $0x1000;
	s13 =	simm.s32 $0x5;
	s15 =	simm.s32 $0x2200  }
0x5: {  	s16 =	simm.s32 $0x100;
	s17 =	simm.s32 $0x4200;
	s18 =	simm.s32 $0x180  }
0x6: {  	s19 =	simm.s32 $0x6200;
	s20 =	simm.s32 $0x1;
	s21 =	simm.s32 $0x8200  }
0x7: {  	s22 =	simm.s32 $0x2;
	s23 =	simm.s32 $0xC400;
	s24 =	simm.s32 $0x3  }
0x8: {  	s25 =	simm.s32 $0x4;
	s26 =	simm.s32 $0x0;
	[smem:$0x7FF] =	sst s3  }
0x9: {  	s4 =	sadd.s32 $0x400, s0;
	s2 =	sand.u32 $0x1, s2;
	s6 =	sshll.u32 s5, $0x1  }
0xa: {  	v0 =	vlaneseq.u32;
	s5 =	sadd.s32 $0x19400, s0;
	s31 =	ssub.s32 $0x2, s2;
	s2 =	sor.u32 s2, s6  }
0xb: {  	v0 =	vmul.u32 $0x101, v0;
	_ =	strace $0x80000047;
	s7 =	sshrl.u32 s31, $0x1;
	s6 =	sshll.u32 s2, $0x7  }
0xc: {  	s8 =	sshll.u32 s2, $0x4;
	s9 =	sshll.u32 s2, $0xA;
	s0 =	ssub.s32 s31, s7  }
0xd: {  	v1 =	vadd.s32 $0x1010, v0;
	v2 =	vadd.s32 $0x2020, v0;
	v3 =	vadd.s32 $0x3030, v0;
	s7 =	sadd.s32 s4, s8;
	s8 =	sor.u32 $0x4000, s6;
	s10 =	smax.u32 s0, $0x1  }
.LBB2_1:
0xe: {  	s28 =	simm.s32 $0x10620;
	v4 =	vadd.s32 s3, v0  }
0xf: {  	s0 =	simm.s32 $0x0;
	v5 =	vadd.s32 s3, v2;
	v6 =	vadd.s32 s3, v3;
	s29 =	simm.s32 $0x10620;
	s30 =	simm.s32 $0x0;
	[tilespmem:s28+$0xFFFFFFE0] =	vst v4;
	v4 =	vadd.s32 s3, v1  }
.LBB2_2:
0x10: {  	s0 =	sadd.s32 $0x4, s0  }
0x11: {  	[tilespmem:s28+$0x10] =	vst v6;
	s29 =	sadd.s32 $0x40, s29;
	s30 =	sadd.s32 $0x1, s30;
	p0 =	slt.u32 s0, $0x3FC  }
.Ltmp0:
0x12: {  	[tilespmem:s28+$0x0] =	vst v5;
	(pc) =	sbr.rel @p0 .LBB2_2-.Ltmp0, $3  }
0x13: {  	[tilespmem:s28+$0xFFFFFFF0] =	vst v4;
	s28 =	smov.u32 s29;
	_ =	sdelay $0x1  }
0x14: {  	v4 =	vadd.s32 s30, v0  }
0x15: {  	v5 =	vadd.s32 s30, v2;
	v6 =	vadd.s32 s30, v3;
	[tilespmem:s29+$0xFFFFFFE0] =	vst v4;
	v4 =	vadd.s32 s30, v1  }
0x16: {  	[tilespmem:s28+$0x10] =	vst v6  }
0x17: {  	[tilespmem:s28+$0x0] =	vst v5  }
0x18: {  	[tilespmem:s28+$0xFFFFFFF0] =	vst v4;
	s28 =	simm.s32 $0x0  }
0x19: {  	[tilespmem:s28], [sflag:$0x5] =	stream.strided.gather [hbm4b:s7+s11], $0x100, s12, s11, $0x38;
	[tilespmem:$0x14600] =	vst v63  }
0x1a: {  	_ =	swait.ge [sflag:s13], $0x100  }
0x1b: {  	[sflag:s13] =	ssyncset.done $0x0  }
0x1c: {  	s0 =	simm.s32 $0x200;
	[sflag:s13] =	ssyncadd.s32 $0xFFFFFF00  }
0x1d: {  	[tilespmem:s0], [sflag:$0x1] =	stream.indirect.gather [hbm4b:s5+s11], $0x40, s28, s11, $0xb8;
	[tilespmem:$0x14600] =	vst v63  }
0x1e: {  	_ = 	snop  }
0x1f: {  	[tilespmem:s15], [sflag:$0x1] =	stream.indirect.gather [hbm4b:s5+s11], $0x40, s11, s11, $0xb8;
	[tilespmem:$0x14600] =	vst v63  }
.LBB2_4:
0x20: {  	s0 =	sshll.u32 s28, $0x1  }
0x21: {  	s0 =	sand.u32 $0x2, s0  }
0x22: {  	s31 =	sshll.u32 s28, $0xE;
	s29 =	sor.u32 $0x1, s0  }
0x23: {  	s30 =	sand.u32 $0xF8000, s31;
	s0 =	sshll.u32 s29, $0xD  }
0x24: {  	s0 =	sor.u32 s30, s0  }
0x25: {  	s0 =	sor.u32 s6, s0  }
0x26: {  	s0 =	sshrl.u32 s0, $0x3  }
0x27: {  	s0 =	sadd.s32 s4, s0  }
0x28: {  	[tilespmem:s16], [sflag:$0x5] =	stream.strided.gather [hbm4b:s0+s11], $0x100, s12, s11, $0x38;
	[tilespmem:$0x14600] =	vst v63  }
0x29: {  	_ =	swait.ge [sflag:s13], $0x100  }
0x2a: {  	[sflag:s13] =	ssyncset.done $0x0  }
0x2b: {  	[sflag:s13] =	ssyncadd.s32 $0xFFFFFF00  }
0x2c: {  	[tilespmem:s17], [sflag:$0x2] =	stream.indirect.gather [hbm4b:s5+s11], $0x40, s16, s11, $0xb8;
	[tilespmem:$0x14600] =	vst v63  }
0x2d: {  	_ = 	snop  }
0x2e: {  	[tilespmem:s19], [sflag:$0x2] =	stream.indirect.gather [hbm4b:s5+s11], $0x40, s18, s11, $0xb8;
	[tilespmem:$0x14600] =	vst v63  }
0x2f: {  	_ =	swait.ge [sflag:s20], $0x2000  }
0x30: {  	[sflag:s20] =	ssyncset.done $0x0  }
0x31: {  	[sflag:s20] =	ssyncadd.s32 $0xFFFFE000  }
0x32: {  	_ =	swait.ge [sflag:s20], $0x2000  }
0x33: {  	p0 =	seq.s32 s28, $0x0;
	[sflag:s20] =	ssyncset.done $0x0  }
0x34: {  	s0 =	simm.s32 @!p0 $0x3;
	[sflag:s20] =	ssyncadd.s32 $0xFFFFE000  }
0x35: {  	_ =	swait.ge @!p0 [sflag:s0], $0x4000  }
0x36: {  	[sflag:s0] =	ssyncset.done @!p0 $0x0  }
0x37: {  	[sflag:s0] =	ssyncadd.s32 @!p0 $0xFFFFC000;
	s0 =	simm.s32 $0x0  }
.LBB2_5:
0x38: {  	s2 =	sshra.s32 s0, $0x2  }
0x39: {  	v4 =	vld [tilespmem:s2+$0x10600];
	_ =	sdelay $0x2  }
0x3a: {  	v5 =	vld [tilespmem:s2+$0x200];
	_ =	sdelay $0x4  }
0x3b: {  	[tilespmem:v4+s21+$0x0] =	vst.idx.msk $0xffff, v5  }
0x3c: {  	v4 =	vld [tilespmem:s2+$0x10610];
	_ =	sdelay $0x2  }
0x3d: {  	v5 =	vld [tilespmem:s2+$0x210];
	_ =	sdelay $0x4  }
0x3e: {  	[tilespmem:v4+s21+$0x0] =	vst.idx.msk $0xffff, v5  }
0x3f: {  	v4 =	vld [tilespmem:s2+$0x10620];
	_ =	sdelay $0x2  }
0x40: {  	v5 =	vld [tilespmem:s2+$0x220];
	_ =	sdelay $0x4  }
0x41: {  	[tilespmem:v4+s21+$0x0] =	vst.idx.msk $0xffff, v5  }
0x42: {  	v4 =	vld [tilespmem:s2+$0x10630];
	_ =	sdelay $0x2  }
0x43: {  	v5 =	vld [tilespmem:s2+$0x230];
	_ =	sdelay $0x4  }
0x44: {  	[tilespmem:v4+s21+$0x0] =	vst.idx.msk $0xffff, v5  }
0x45: {  	v4 =	vld [tilespmem:s2+$0x10640];
	_ =	sdelay $0x2  }
0x46: {  	v5 =	vld [tilespmem:s2+$0x240];
	_ =	sdelay $0x4  }
0x47: {  	[tilespmem:v4+s21+$0x0] =	vst.idx.msk $0xffff, v5  }
0x48: {  	v4 =	vld [tilespmem:s2+$0x10650];
	_ =	sdelay $0x2  }
0x49: {  	v5 =	vld [tilespmem:s2+$0x250];
	_ =	sdelay $0x4  }
0x4a: {  	[tilespmem:v4+s21+$0x0] =	vst.idx.msk $0xffff, v5  }
0x4b: {  	v4 =	vld [tilespmem:s2+$0x10660];
	_ =	sdelay $0x2  }
0x4c: {  	v5 =	vld [tilespmem:s2+$0x260];
	_ =	sdelay $0x4  }
0x4d: {  	[tilespmem:v4+s21+$0x0] =	vst.idx.msk $0xffff, v5  }
0x4e: {  	v4 =	vld [tilespmem:s2+$0x10670];
	_ =	sdelay $0x2  }
0x4f: {  	p1 =	sne.s32 s0, $0xFE00;
	v5 =	vld [tilespmem:s2+$0x270]  }
.Ltmp1:
0x50: {  	_ = 	snop;
	(pc) =	sbr.rel @p1 .LBB2_5-.Ltmp1, $2  }
0x51: {  	_ =	sdelay $0x2  }
0x52: {  	s0 =	sadd.s32 $0x200, s0;
	[tilespmem:v4+s21+$0x0] =	vst.idx.msk $0xffff, v5  }
0x53: {  	s0 =	sshll.u32 s28, $0x9  }
0x54: {  	s0 =	sand.u32 $0x200, s0  }
0x55: {  	s0 =	sor.u32 s30, s0  }
0x56: {  	s0 =	sor.u32 s9, s0  }
0x57: {  	s0 =	sshrl.u32 s0, $0x3  }
0x58: {  	s2 =	simm.s32 $0x8200;
	s0 =	sadd.s32 s1, s0  }
0x59: {  	[hbm4b:s0+s3] =	stream.linear.scatter [tilespmem:s2], [sflag:$0x3], $0x100, $0x38;
	[tilespmem:$0x14600] =	vst v63  }
0x5a: {  	s2 =	simm.s32 $0x420  }
.LBB2_7:
0x5b: {  	p1 =	sne.s32 s2, $0x103E0  }
.Ltmp2:
0x5c: {  	_ = 	snop;
	(pc) =	sbr.rel @p1 .LBB2_7-.Ltmp2, $4  }
0x5d: {  	_ = 	snop  }
0x5e: {  	s14 =	sshra.s32 s2, $0x2;
	s2 =	sadd.s32 $0x420, s2  }
0x5f: {  	s0 =	sadd.s32 $0x19000, s0;
	s14 =	sadd.s32 $0x8200, s14  }
0x60: {  	[hbm4b:s0+s3] =	stream.linear.scatter [tilespmem:s14], [sflag:$0x3], $0x100, $0x38;
	[tilespmem:$0x14600] =	vst v63  }
0x61: {  	p1 =	seq.s32 s28, $0x31  }
0x62: {  	s0 =	sadd.s32 @!p1 s8, s31  }
0x63: {  	s2 =	simm.s32 @!p1 $0x80;
	s0 =	sshrl.u32 @!p1 s0, $0x3  }
0x64: {  	s14 =	simm.s32 @!p1 $0x1000;
	s31 =	simm.s32 @!p1 $0x0;
	s0 =	sadd.s32 @!p1 s4, s0  }
0x65: {  	[tilespmem:s31], [sflag:$0x5] =	stream.strided.gather @!p1 [hbm4b:s0+s2], $0x100, s14, s2, $0x38;
	[tilespmem:$0x14600] =	vst v63  }
0x66: {  	s0 =	simm.s32 @!p1 $0x5  }
0x67: {  	_ =	swait.ge @!p1 [sflag:s0], $0x100  }
0x68: {  	[sflag:s0] =	ssyncset.done @!p1 $0x0  }
0x69: {  	[sflag:s0] =	ssyncadd.s32 @!p1 $0xFFFFFF00;
	s0 =	simm.s32 @!p1 $0x200  }
0x6a: {  	[tilespmem:s0], [sflag:$0x1] =	stream.indirect.gather @!p1 [hbm4b:s5+s2], $0x40, s31, s2, $0xb8;
	[tilespmem:$0x14600] =	vst v63  }
0x6b: {  	s0 =	simm.s32 @!p1 $0x2200  }
0x6c: {  	[tilespmem:s0], [sflag:$0x1] =	stream.indirect.gather @!p1 [hbm4b:s5+s2], $0x40, s2, s2, $0xb8;
	[tilespmem:$0x14600] =	vst v63  }
0x6d: {  	_ =	swait.ge [sflag:s22], $0x2000  }
0x6e: {  	[sflag:s22] =	ssyncset.done $0x0  }
0x6f: {  	[sflag:s22] =	ssyncadd.s32 $0xFFFFE000  }
0x70: {  	_ =	swait.ge [sflag:s22], $0x2000  }
0x71: {  	[sflag:s22] =	ssyncset.done $0x0  }
0x72: {  	s0 =	simm.s32 @!p0 $0x4;
	[sflag:s22] =	ssyncadd.s32 $0xFFFFE000  }
0x73: {  	_ =	swait.ge @!p0 [sflag:s0], $0x4000  }
0x74: {  	[sflag:s0] =	ssyncset.done @!p0 $0x0  }
0x75: {  	[sflag:s0] =	ssyncadd.s32 @!p0 $0xFFFFC000;
	s0 =	simm.s32 $0x0  }
.LBB2_9:
0x76: {  	s2 =	sshra.s32 s0, $0x2  }
0x77: {  	v4 =	vld [tilespmem:s2+$0x10600];
	_ =	sdelay $0x2  }
0x78: {  	v5 =	vld [tilespmem:s2+$0x4200];
	_ =	sdelay $0x4  }
0x79: {  	[tilespmem:v4+s23+$0x0] =	vst.idx.msk $0xffff, v5  }
0x7a: {  	v4 =	vld [tilespmem:s2+$0x10610];
	_ =	sdelay $0x2  }
0x7b: {  	v5 =	vld [tilespmem:s2+$0x4210];
	_ =	sdelay $0x4  }
0x7c: {  	[tilespmem:v4+s23+$0x0] =	vst.idx.msk $0xffff, v5  }
0x7d: {  	v4 =	vld [tilespmem:s2+$0x10620];
	_ =	sdelay $0x2  }
0x7e: {  	v5 =	vld [tilespmem:s2+$0x4220];
	_ =	sdelay $0x4  }
0x7f: {  	[tilespmem:v4+s23+$0x0] =	vst.idx.msk $0xffff, v5  }
0x80: {  	v4 =	vld [tilespmem:s2+$0x10630];
	_ =	sdelay $0x2  }
0x81: {  	v5 =	vld [tilespmem:s2+$0x4230];
	_ =	sdelay $0x4  }
0x82: {  	[tilespmem:v4+s23+$0x0] =	vst.idx.msk $0xffff, v5  }
0x83: {  	v4 =	vld [tilespmem:s2+$0x10640];
	_ =	sdelay $0x2  }
0x84: {  	v5 =	vld [tilespmem:s2+$0x4240];
	_ =	sdelay $0x4  }
0x85: {  	[tilespmem:v4+s23+$0x0] =	vst.idx.msk $0xffff, v5  }
0x86: {  	v4 =	vld [tilespmem:s2+$0x10650];
	_ =	sdelay $0x2  }
0x87: {  	v5 =	vld [tilespmem:s2+$0x4250];
	_ =	sdelay $0x4  }
0x88: {  	[tilespmem:v4+s23+$0x0] =	vst.idx.msk $0xffff, v5  }
0x89: {  	v4 =	vld [tilespmem:s2+$0x10660];
	_ =	sdelay $0x2  }
0x8a: {  	v5 =	vld [tilespmem:s2+$0x4260];
	_ =	sdelay $0x4  }
0x8b: {  	[tilespmem:v4+s23+$0x0] =	vst.idx.msk $0xffff, v5  }
0x8c: {  	v4 =	vld [tilespmem:s2+$0x10670];
	_ =	sdelay $0x2  }
0x8d: {  	p0 =	sne.s32 s0, $0xFE00;
	v5 =	vld [tilespmem:s2+$0x4270]  }
.Ltmp3:
0x8e: {  	_ = 	snop;
	(pc) =	sbr.rel @p0 .LBB2_9-.Ltmp3, $2  }
0x8f: {  	_ =	sdelay $0x2  }
0x90: {  	s0 =	sadd.s32 $0x200, s0;
	[tilespmem:v4+s23+$0x0] =	vst.idx.msk $0xffff, v5  }
0x91: {  	s0 =	sshll.u32 s29, $0x8  }
0x92: {  	s0 =	sor.u32 s30, s0  }
0x93: {  	s0 =	sor.u32 s9, s0  }
0x94: {  	s0 =	sshrl.u32 s0, $0x3  }
0x95: {  	s2 =	simm.s32 $0xC400;
	s0 =	sadd.s32 s1, s0  }
0x96: {  	[hbm4b:s0+s3] =	stream.linear.scatter [tilespmem:s2], [sflag:$0x4], $0x100, $0x38;
	[tilespmem:$0x14600] =	vst v63  }
0x97: {  	s2 =	simm.s32 $0x420  }
.LBB2_11:
0x98: {  	p0 =	sne.s32 s2, $0x103E0  }
.Ltmp4:
0x99: {  	_ = 	snop;
	(pc) =	sbr.rel @p0 .LBB2_11-.Ltmp4, $4  }
0x9a: {  	_ = 	snop  }
0x9b: {  	s14 =	sshra.s32 s2, $0x2;
	s2 =	sadd.s32 $0x420, s2  }
0x9c: {  	s0 =	sadd.s32 $0x19000, s0;
	s14 =	sadd.s32 $0xC400, s14  }
0x9d: {  	[hbm4b:s0+s3] =	stream.linear.scatter [tilespmem:s14], [sflag:$0x4], $0x100, $0x38;
	[tilespmem:$0x14600] =	vst v63  }
0x9e: {  	s28 =	sadd.s32 $0x1, s28  }
0x9f: {  	p0 =	sne.s32 s28, $0x32  }
.Ltmp5:
0xa0: {  	_ = 	snop;
	(pc) =	sbr.rel @p0 .LBB2_4-.Ltmp5, $1  }
0xa1: {  	_ =	sdelay $0x3  }
0xa2: {  	s26 =	sadd.s32 $0x1, s26  }
0xa3: {  	_ =	swait.ge [sflag:s24], $0x4000;
	p0 =	sne.s32 s26, s10  }
.Ltmp6:
0xa4: {  	[sflag:s24] =	ssyncset.done $0x0;
	(pc) =	sbr.rel @p0 .LBB2_1-.Ltmp6, $4  }
0xa5: {  	[sflag:s24] =	ssyncadd.s32 $0xFFFFC000  }
0xa6: {  	_ =	swait.ge [sflag:s25], $0x4000  }
0xa7: {  	[sflag:s25] =	ssyncset.done $0x0  }
0xa8: {  	[sflag:s25] =	ssyncadd.s32 $0xFFFFC000  }
0xa9: {  	_ =	sfence.sel $0x180000  }
0xaa: {  	[bflag:$0x0] =	sbarrier.arrive $0xFFFF  }
0xab: {  	_ =	strace $0x90000047  }
0xac: {  	s0 =	stileid.u32;
	[bflag:$0x2] =	sbarrier.arrive $0xFFFF  }
0xad: {  	p0 =	sne.s32 s0, $0x0;
	s0 =	rddreg [dreg:$0x2]  }
0xae: {  	s0 =	sadd.s32 @!p0 $0x100000, s0  }
0xaf: {  	[sflag:s0] =	ssyncadd.tile.s32 @!p0 $0x1;
	_ =	shalt  }
.Lfunc_end2:
_tile_overlayer_lowered:
.L_overlay_start_2:
0xb0: {  	(tag) =	ssettag $0x2  }
0xb1: {  	s0 =	rddreg [dreg:$0x0];
	s2 =	stileid.u32  }
0xb2: {  	s1 =	rddreg [dreg:$0x1];
	p0 =	sne.s32 s2, $0x0  }
0xb3: {  	s3 =	rddreg [dreg:$0x2];
	[bflag:$0x3] =	sbarrier.arrive $0xFFFF;
	s2 =	simm.s32 @!p0 $0x1C05  }
0xb4: {  	[timem:s3], [sflag:s2] =	dma.local @!p0 [hbm:s0], s1  }
0xb5: {  	s0 =	simm.s32 @!p0 $0x5  }
0xb6: {  	_ =	swait.ge @!p0 [sflag:s0], s1  }
0xb7: {  	s1 =	ssub.s32 @!p0 $0x0, s1;
	[sflag:s0] =	ssyncset.done @!p0 $0x0  }
0xb8: {  	[sflag:s0] =	ssyncadd.s32 @!p0 s1  }
0xb9: {  	[bflag:$0x3] =	sbarrier.arrive $0xFFFF  }
0xba: {  	_ =	shalt  }

</sc_bundles>
